<compile_context>
chip_gen: v7x
topology: tpu7x:2x2x1
jax: 0.10.2.dev20260603
libtpu: 0.0.44.dev20260713+nightly
codegen_flags: <defaults>
</compile_context>

<pallas_src>
import jax
import jax.numpy as jnp
from jax import lax
from jax.experimental import pallas as pl
from jax.experimental.pallas import tpu as pltpu
from jax.experimental.pallas import tpu_sc as plsc

N = 10000
E = 320000
D = 128
NC = 2
NS = 16
NW = NC * NS
CHUNK = 128
NCHUNKS = 80
EDGES_PER_TILE = CHUNK * NCHUNKS
EP = NW * EDGES_PER_TILE
ROWS_PER_SUB = 624
TAIL_BASE = ROWS_PER_SUB * NS
TAIL_ROWS = N - TAIL_BASE

_VECTOR_MESH = plsc.VectorSubcoreMesh(
    core_axis_name="c", subcore_axis_name="s", num_cores=NC, num_subcores=NS)

_SC_PARAMS = pltpu.CompilerParams(needs_layout_passes=False)


def _deg_body(col2, ea0p, zeros1, degp, idx_v, val_v, acc_sh):
    c = lax.axis_index("c")
    s = lax.axis_index("s")
    wid = s * NC + c
    ebase = wid * EDGES_PER_TILE

    @pl.when(s == 0)
    def _():
        pltpu.sync_copy(zeros1, acc_sh)

    pltpu.sync_copy(col2.at[pl.ds(wid * NCHUNKS, NCHUNKS)], idx_v)
    pltpu.sync_copy(ea0p.at[pl.ds(ebase, EDGES_PER_TILE)], val_v)

    @pl.loop(0, EDGES_PER_TILE, step=16)
    def _(e):
        sl = pl.ds(e, 16)
        val_v[sl] = jnp.abs(val_v[sl])

    plsc.subcore_barrier()

    @pl.loop(0, NCHUNKS)
    def _(t):
        pltpu.sync_copy(val_v.at[pl.ds(t * CHUNK, CHUNK)],
                        acc_sh.at[idx_v.at[t]],
                        add=True)

    plsc.subcore_barrier()

    @pl.when(s == 0)
    def _():
        pltpu.sync_copy(acc_sh, degp.at[c])


def _deg_partials(col2, ea0p, zeros1):
    k = pl.kernel(
        _deg_body,
        out_type=jax.ShapeDtypeStruct((NC, N), jnp.float32),
        mesh=_VECTOR_MESH,
        scratch_types=[
            pltpu.VMEM((NCHUNKS, CHUNK), jnp.int32),
            pltpu.VMEM((EDGES_PER_TILE,), jnp.float32),
            pltpu.VMEM_SHARED((N,), jnp.float32),
        ],
        compiler_params=_SC_PARAMS,
    )
    return k(col2, ea0p, zeros1)


def _msg_body(y, rowp, colp, ea0p, zeros2, accp,
              ew_v, ir0, ir1, ic0, ic1, rows0, rows1,
              g0, g1, r0, r1, c0, c1, acc_sh):
    c = lax.axis_index("c")
    s = lax.axis_index("s")
    wid = s * NC + c
    ebase = wid * EDGES_PER_TILE

    pltpu.sync_copy(zeros2.at[pl.ds(s * ROWS_PER_SUB, ROWS_PER_SUB)],
                    acc_sh.at[pl.ds(s * ROWS_PER_SUB, ROWS_PER_SUB)])

    @pl.when(s == NS - 1)
    def _():
        pltpu.sync_copy(zeros2.at[pl.ds(TAIL_BASE, TAIL_ROWS)],
                        acc_sh.at[pl.ds(TAIL_BASE, TAIL_ROWS)])

    pltpu.sync_copy(ea0p.at[pl.ds(ebase, EDGES_PER_TILE)], ew_v)

    @pl.loop(0, EDGES_PER_TILE, step=16)
    def _(e):
        sl = pl.ds(e, 16)
        ew_v[sl] = jnp.abs(ew_v[sl])

    plsc.subcore_barrier()

    def scale(t, buf):
        @plsc.parallel_loop(0, CHUNK, unroll=8)
        def _(j):
            sc_v = plsc.load_gather(
                ew_v, [jnp.full((16,), t * CHUNK + j, jnp.int32)])
            for k in range(D // 16):
                sl = pl.ds(k * 16, 16)
                buf[j, sl] = buf[j, sl] * sc_v

    def ir_load(t, buf, sem):
        pltpu.async_copy(rowp.at[pl.ds(ebase + t * CHUNK, CHUNK)], buf, sem)

    def ir_wait(t, buf, sem):
        pltpu.make_async_copy(
            rowp.at[pl.ds(ebase + t * CHUNK, CHUNK)], buf, sem).wait()

    def ic_load(t, buf, sem):
        pltpu.async_copy(colp.at[pl.ds(ebase + t * CHUNK, CHUNK)], buf, sem)

    def ic_wait(t, buf, sem):
        pltpu.make_async_copy(
            colp.at[pl.ds(ebase + t * CHUNK, CHUNK)], buf, sem).wait()

    def half(t, irA, irB, icA, rowsA, rowsB, gA, gB, rA, rB, cA):
        pltpu.make_async_copy(y.at[irA], rowsA, gA).wait()

        @pl.when(t + 2 < NCHUNKS)
        def _():
            ir_load(t + 2, irA, rA)

        @pl.when(t + 1 < NCHUNKS)
        def _():
            ir_wait(t + 1, irB, rB)
            pltpu.async_copy(y.at[irB], rowsB, gB)

        scale(t, rowsA)
        ic_wait(t, icA, cA)
        pltpu.sync_copy(rowsA, acc_sh.at[icA], add=True)

        @pl.when(t + 2 < NCHUNKS)
        def _():
            ic_load(t + 2, icA, cA)

    ir_load(0, ir0, r0)
    ir_load(1, ir1, r1)
    ic_load(0, ic0, c0)
    ic_load(1, ic1, c1)
    ir_wait(0, ir0, r0)
    pltpu.async_copy(y.at[ir0], rows0, g0)

    @pl.loop(0, NCHUNKS, step=2)
    def _(t):
        half(t, ir0, ir1, ic0, rows0, rows1, g0, g1, r0, r1, c0)
        half(t + 1, ir1, ir0, ic1, rows1, rows0, g1, g0, r1, r0, c1)

    plsc.subcore_barrier()

    pltpu.sync_copy(acc_sh.at[pl.ds(s * ROWS_PER_SUB, ROWS_PER_SUB)],
                    accp.at[c, pl.ds(s * ROWS_PER_SUB, ROWS_PER_SUB)])

    @pl.when(s == NS - 1)
    def _():
        pltpu.sync_copy(acc_sh.at[pl.ds(TAIL_BASE, TAIL_ROWS)],
                        accp.at[c, pl.ds(TAIL_BASE, TAIL_ROWS)])


def _msg_partials(y, rowp, colp, ea0p, zeros2):
    k = pl.kernel(
        _msg_body,
        out_type=jax.ShapeDtypeStruct((NC, N, D), jnp.float32),
        mesh=_VECTOR_MESH,
        scratch_types=[
            pltpu.VMEM((EDGES_PER_TILE,), jnp.float32),
            pltpu.VMEM((CHUNK,), jnp.int32),
            pltpu.VMEM((CHUNK,), jnp.int32),
            pltpu.VMEM((CHUNK,), jnp.int32),
            pltpu.VMEM((CHUNK,), jnp.int32),
            pltpu.VMEM((CHUNK, D), jnp.float32),
            pltpu.VMEM((CHUNK, D), jnp.float32),
            pltpu.SemaphoreType.DMA,
            pltpu.SemaphoreType.DMA,
            pltpu.SemaphoreType.DMA,
            pltpu.SemaphoreType.DMA,
            pltpu.SemaphoreType.DMA,
            pltpu.SemaphoreType.DMA,
            pltpu.VMEM_SHARED((N, D), jnp.float32),
        ],
        compiler_params=_SC_PARAMS,
    )
    return k(y, rowp, colp, ea0p, zeros2)


_BLK = 400


def _y_body(x_ref, w_ref, d0_ref, d1_ref, y_ref, dinv_ref):
    xw = lax.dot_general(
        x_ref[...], w_ref[...], (((1,), (1,)), ((), ())),
        preferred_element_type=jnp.float32)
    deg = d0_ref[...] + d1_ref[...] + 1.0
    dinv = lax.rsqrt(deg)
    dinv_ref[...] = dinv
    y_ref[...] = xw * dinv


def _y_dinv(x, W, d0, d1):
    return pl.pallas_call(
        _y_body,
        grid=(N // _BLK,),
        in_specs=[pl.BlockSpec((_BLK, D), lambda i: (i, 0)),
                  pl.BlockSpec((D, D), lambda i: (0, 0)),
                  pl.BlockSpec((_BLK, 1), lambda i: (i, 0)),
                  pl.BlockSpec((_BLK, 1), lambda i: (i, 0))],
        out_specs=[pl.BlockSpec((_BLK, D), lambda i: (i, 0)),
                   pl.BlockSpec((_BLK, 1), lambda i: (i, 0))],
        out_shape=[jax.ShapeDtypeStruct((N, D), jnp.float32),
                   jax.ShapeDtypeStruct((N, 1), jnp.float32)],
    )(x, W, d0, d1)


def _post_body(acc_ref, y_ref, dinv_ref, b_ref, lw_ref, lb_ref, o_ref):
    pre = dinv_ref[...] * (acc_ref[0] + acc_ref[1] + y_ref[...]) + b_ref[...]
    act = jnp.where(pre >= 0, pre, 0.01 * pre)
    mu = jnp.mean(act, axis=1, keepdims=True)
    zc = act - mu
    var = jnp.mean(zc * zc, axis=1, keepdims=True)
    o_ref[...] = zc * lax.rsqrt(var + 1e-5) * lw_ref[...] + lb_ref[...]


def _post(accp, y, dinv, b, lw, lb):
    return pl.pallas_call(
        _post_body,
        grid=(N // _BLK,),
        in_specs=[pl.BlockSpec((NC, _BLK, D), lambda i: (0, i, 0)),
                  pl.BlockSpec((_BLK, D), lambda i: (i, 0)),
                  pl.BlockSpec((_BLK, 1), lambda i: (i, 0)),
                  pl.BlockSpec((1, D), lambda i: (0, 0)),
                  pl.BlockSpec((1, D), lambda i: (0, 0)),
                  pl.BlockSpec((1, D), lambda i: (0, 0))],
        out_specs=pl.BlockSpec((_BLK, D), lambda i: (i, 0)),
        out_shape=jax.ShapeDtypeStruct((N, D), jnp.float32),
    )(accp, y, dinv, b, lw, lb)


def kernel(x, edge_attr, W, b, ln_w, ln_b, edge_index):
    ei = edge_index.astype(jnp.int32)
    row = ei[0]
    col = ei[1]
    ea0 = edge_attr[:, 0]
    pad = EP - E
    padi = jnp.arange(pad, dtype=jnp.int32) % N
    rowp = jnp.concatenate([row, padi])
    colp = jnp.concatenate([col, padi])
    ea0p = jnp.concatenate([ea0, jnp.zeros((pad,), jnp.float32)])
    zeros1 = jnp.zeros((N,), jnp.float32)
    zeros2 = jnp.zeros((N, D), jnp.float32)

    col2 = colp.reshape(NW * NCHUNKS, CHUNK)
    degp = _deg_partials(col2, ea0p, zeros1)
    y, dinv = _y_dinv(x, W, degp[0].reshape(N, 1), degp[1].reshape(N, 1))
    accp = _msg_partials(y, rowp, colp, ea0p, zeros2)
    return _post(accp, y, dinv, b.reshape(1, D),
                 ln_w.reshape(1, D), ln_b.reshape(1, D))

# --- scband reference (transcript-rebuilt; emitter-appended) ---
"""Pipeline reference for scband-brain-block-16904991277609 (READ-ONLY COPY).

The authoritative reference and input builder live on the scoring server;
editing this copy changes nothing except your own understanding.
"""

import jax, jax.numpy as jnp
import numpy as np

N_NODES = 10000
N_EDGES = 320000
D_IN = 128
D_OUT = 128
D_EDGE = 4


def setup_inputs(seed: int = 0) -> dict:
    key = jax.random.key(seed)
    k1, k2, k3, k4, k5 = jax.random.split(key, 5)
    x = jax.random.normal(k1, (N_NODES, D_IN), dtype=jnp.float32)
    edge_index = jax.random.randint(k2, (2, N_EDGES), 0, N_NODES, dtype=jnp.int64)
    edge_attr = jax.random.normal(k3, (N_EDGES, D_EDGE), dtype=jnp.float32)
    # GCNConv lin weight (xavier_uniform), bias; LayerNorm affine params
    limit = float(np.sqrt(6.0 / (D_IN + D_OUT)))
    W = jax.random.uniform(k4, (D_OUT, D_IN), dtype=jnp.float32, minval=-limit, maxval=limit)
    b = jnp.zeros((D_OUT,), dtype=jnp.float32)
    ln_w = jnp.ones((D_OUT,), dtype=jnp.float32)
    ln_b = jnp.zeros((D_OUT,), dtype=jnp.float32)
    return {"x": x, "edge_attr": edge_attr, "W": W, "b": b, "ln_w": ln_w, "ln_b": ln_b, "edge_index": edge_index}


def reference(x, edge_attr, W, b, ln_w, ln_b, edge_index):
    N = x.shape[0]
    # edge_weight = |edge_attr[:, 0]|
    ew = jnp.abs(edge_attr[:, 0])
    # GCNConv: linear transform (bias added after aggregation)
    xw = x @ W.T
    row = edge_index[0]
    col = edge_index[1]
    # add self loops with weight 1 (PyG gcn_norm, add_self_loops=True)
    loop = jnp.arange(N, dtype=edge_index.dtype)
    row2 = jnp.concatenate([row, loop])
    col2 = jnp.concatenate([col, loop])
    ew2 = jnp.concatenate([ew, jnp.ones((N,), dtype=ew.dtype)])
    # symmetric normalization
    deg = jnp.zeros((N,), dtype=xw.dtype).at[col2].add(ew2)
    deg_inv_sqrt = jnp.where(deg > 0, deg ** -0.5, 0.0)
    norm = deg_inv_sqrt[row2] * ew2 * deg_inv_sqrt[col2]
    # message passing: gather from source, scatter-add to target
    msg = norm[:, None] * xw[row2]
    out = jnp.zeros_like(xw).at[col2].add(msg)
    out = out + b
    # LeakyReLU(negative_slope=0.01)
    out = jnp.where(out >= 0, out, 0.01 * out)
    # LayerNorm over feature dim (eps=1e-5)
    mu = jnp.mean(out, axis=-1, keepdims=True)
    var = jnp.var(out, axis=-1, keepdims=True)
    out = (out - mu) / jnp.sqrt(var + 1e-5) * ln_w + ln_b
    # Dropout: identity in eval mode
    return out

if __name__ == "__main__":
    import jax
    _d = setup_inputs()
    print(jax.jit(kernel)(*tuple(_d.values())))

</pallas_src>

<mosaic_0001>
#map = affine_map<(d0, d1) -> (0, 0)>
#map1 = affine_map<(d0, d1) -> (0)>
#map2 = affine_map<(d0, d1) -> (0, 0, 0)>
module attributes {stable_mosaic.version = 14 : i64} {
  func.func @_msg_body(%arg0: i32, %arg1: i32, %arg2: memref<10000x128xf32, #tpu.memory_space<hbm>>, %arg3: memref<327680xi32, #tpu.memory_space<hbm>>, %arg4: memref<327680xi32, #tpu.memory_space<hbm>>, %arg5: memref<327680xf32, #tpu.memory_space<hbm>>, %arg6: memref<10000x128xf32, #tpu.memory_space<hbm>>, %arg7: memref<2x10000x128xf32, #tpu.memory_space<hbm>>, %arg8: memref<10240xf32, #tpu.memory_space<vmem>>, %arg9: memref<128xi32, #tpu.memory_space<vmem>>, %arg10: memref<128xi32, #tpu.memory_space<vmem>>, %arg11: memref<128xi32, #tpu.memory_space<vmem>>, %arg12: memref<128xi32, #tpu.memory_space<vmem>>, %arg13: memref<128x128xf32, #tpu.memory_space<vmem>>, %arg14: memref<128x128xf32, #tpu.memory_space<vmem>>, %arg15: memref<!tpu.dma_semaphore, #tpu.memory_space<semaphore_mem>>, %arg16: memref<!tpu.dma_semaphore, #tpu.memory_space<semaphore_mem>>, %arg17: memref<!tpu.dma_semaphore, #tpu.memory_space<semaphore_mem>>, %arg18: memref<!tpu.dma_semaphore, #tpu.memory_space<semaphore_mem>>, %arg19: memref<!tpu.dma_semaphore, #tpu.memory_space<semaphore_mem>>, %arg20: memref<!tpu.dma_semaphore, #tpu.memory_space<semaphore_mem>>, %arg21: memref<10000x128xf32, #tpu.memory_space<vmem_shared>>) attributes {dimension_semantics = [#tpu.dimension_semantics<core_parallel>, #tpu.dimension_semantics<subcore_parallel>], iteration_bounds = array<i64: 2, 16>, scalar_prefetch = 0 : i64, scratch_operands = 14 : i64, tpu.core_type = #tpu.core_type<sc_vector_subcore>, window_params = [{transform_indices = #map}, {transform_indices = #map1}, {transform_indices = #map1}, {transform_indices = #map1}, {transform_indices = #map}, {transform_indices = #map2}]} {
    %mul3A = arith.constant 2 : i32
    %mul3A_0 = arith.muli %arg1, %mul3A : i32
    %add3A = arith.addi %mul3A_0, %arg0 : i32
    %mul3A_1 = arith.constant 10240 : i32
    %mul3A_2 = arith.muli %add3A, %mul3A_1 : i32
    %mul3A_3 = arith.constant 624 : i32
    %mul3A_4 = arith.muli %arg1, %mul3A_3 : i32
    %mul3A_5 = arith.constant 624 : i32
    %mul3A_6 = arith.muli %arg1, %mul3A_5 : i32
    "tpu.region"() ({
      %run_scoped3A = tpu.sem_alloc : memref<!tpu.dma_semaphore, #tpu.memory_space<semaphore_mem>>
      %dma_start3A_49 = arith.constant 0 : i32
      %dma_start3A_50 = tpu.memref_slice %arg21[%mul3A_6, %dma_start3A_49] : memref<10000x128xf32, #tpu.memory_space<vmem_shared>> -> memref<624x128xf32, #tpu.memory_space<vmem_shared>>
      %dma_start3A_51 = arith.constant 0 : i32
      %dma_start3A_52 = tpu.memref_slice %arg6[%mul3A_4, %dma_start3A_51] : memref<10000x128xf32, #tpu.memory_space<hbm>> -> memref<624x128xf32, #tpu.memory_space<hbm>>
      tpu.enqueue_dma source(%dma_start3A_52 : memref<624x128xf32, #tpu.memory_space<hbm>>) target(%dma_start3A_50 : memref<624x128xf32, #tpu.memory_space<vmem_shared>>) target_semaphore(%run_scoped3A : memref<!tpu.dma_semaphore, #tpu.memory_space<semaphore_mem>>)
      %dma_wait3A_53 = arith.constant 0 : i32
      %dma_wait3A_54 = tpu.memref_slice %arg21[%mul3A_6, %dma_wait3A_53] : memref<10000x128xf32, #tpu.memory_space<vmem_shared>> -> memref<624x128xf32, #tpu.memory_space<vmem_shared>>
      %dma_wait3A_55 = arith.constant 0 : i32
      %dma_wait3A_56 = tpu.memref_slice %arg6[%mul3A_4, %dma_wait3A_55] : memref<10000x128xf32, #tpu.memory_space<hbm>> -> memref<624x128xf32, #tpu.memory_space<hbm>>
      tpu.wait_dma2 semaphore(%run_scoped3A : memref<!tpu.dma_semaphore, #tpu.memory_space<semaphore_mem>>) src(%dma_wait3A_56 : memref<624x128xf32, #tpu.memory_space<hbm>>) dst(%dma_wait3A_54 : memref<624x128xf32, #tpu.memory_space<vmem_shared>>)
      tpu.yield
    }) : () -> ()
    %eq3A = arith.constant 15 : i32
    %eq3A_7 = arith.cmpi eq, %arg1, %eq3A : i32
    %convert_element_type3A = arith.extui %eq3A_7 : i1 to i32
    %cond3A = arith.constant 0 : i32
    %cond3A_8 = arith.cmpi ne, %convert_element_type3A, %cond3A : i32
    scf.if %cond3A_8 {
      "tpu.region"() ({
        %run_scoped3A = tpu.sem_alloc : memref<!tpu.dma_semaphore, #tpu.memory_space<semaphore_mem>>
        %dma_start3A_49 = arith.constant 9984 : i32
        %dma_start3A_50 = arith.constant 0 : i32
        %dma_start3A_51 = tpu.memref_slice %arg21[%dma_start3A_49, %dma_start3A_50] : memref<10000x128xf32, #tpu.memory_space<vmem_shared>> -> memref<16x128xf32, #tpu.memory_space<vmem_shared>>
        %dma_start3A_52 = arith.constant 9984 : i32
        %dma_start3A_53 = arith.constant 0 : i32
        %dma_start3A_54 = tpu.memref_slice %arg6[%dma_start3A_52, %dma_start3A_53] : memref<10000x128xf32, #tpu.memory_space<hbm>> -> memref<16x128xf32, #tpu.memory_space<hbm>>
        tpu.enqueue_dma source(%dma_start3A_54 : memref<16x128xf32, #tpu.memory_space<hbm>>) target(%dma_start3A_51 : memref<16x128xf32, #tpu.memory_space<vmem_shared>>) target_semaphore(%run_scoped3A : memref<!tpu.dma_semaphore, #tpu.memory_space<semaphore_mem>>)
        %dma_wait3A_55 = arith.constant 9984 : i32
        %dma_wait3A_56 = arith.constant 0 : i32
        %dma_wait3A_57 = tpu.memref_slice %arg21[%dma_wait3A_55, %dma_wait3A_56] : memref<10000x128xf32, #tpu.memory_space<vmem_shared>> -> memref<16x128xf32, #tpu.memory_space<vmem_shared>>
        %dma_wait3A_58 = arith.constant 9984 : i32
        %dma_wait3A_59 = arith.constant 0 : i32
        %dma_wait3A_60 = tpu.memref_slice %arg6[%dma_wait3A_58, %dma_wait3A_59] : memref<10000x128xf32, #tpu.memory_space<hbm>> -> memref<16x128xf32, #tpu.memory_space<hbm>>
        tpu.wait_dma2 semaphore(%run_scoped3A : memref<!tpu.dma_semaphore, #tpu.memory_space<semaphore_mem>>) src(%dma_wait3A_60 : memref<16x128xf32, #tpu.memory_space<hbm>>) dst(%dma_wait3A_57 : memref<16x128xf32, #tpu.memory_space<vmem_shared>>)
        tpu.yield
      }) : () -> ()
    } else {
    }
    "tpu.region"() ({
      %run_scoped3A = tpu.sem_alloc : memref<!tpu.dma_semaphore, #tpu.memory_space<semaphore_mem>>
      %dma_start3A_49 = tpu.memref_slice %arg5[%mul3A_2] : memref<327680xf32, #tpu.memory_space<hbm>> -> memref<10240xf32, #tpu.memory_space<hbm>>
      %dma_start3A_50 = tpu.memref_slice %arg5[%mul3A_2] : memref<327680xf32, #tpu.memory_space<hbm>> -> memref<10240xf32, #tpu.memory_space<hbm>>
      tpu.enqueue_dma source(%dma_start3A_50 : memref<10240xf32, #tpu.memory_space<hbm>>) target(%arg8 : memref<10240xf32, #tpu.memory_space<vmem>>) target_semaphore(%run_scoped3A : memref<!tpu.dma_semaphore, #tpu.memory_space<semaphore_mem>>)
      %dma_wait3A_51 = tpu.memref_slice %arg5[%mul3A_2] : memref<327680xf32, #tpu.memory_space<hbm>> -> memref<10240xf32, #tpu.memory_space<hbm>>
      %dma_wait3A_52 = tpu.memref_slice %arg5[%mul3A_2] : memref<327680xf32, #tpu.memory_space<hbm>> -> memref<10240xf32, #tpu.memory_space<hbm>>
      tpu.wait_dma2 semaphore(%run_scoped3A : memref<!tpu.dma_semaphore, #tpu.memory_space<semaphore_mem>>) src(%dma_wait3A_52 : memref<10240xf32, #tpu.memory_space<hbm>>) dst(%arg8 : memref<10240xf32, #tpu.memory_space<vmem>>)
      tpu.yield
    }) : () -> ()
    %scan3A = arith.constant 0 : i32
    %scan3A_9 = arith.constant 640 : i32
    %scan3A_10 = arith.addi %scan3A, %scan3A_9 : i32
    %scan3A_11 = arith.constant 1 : i32
    scf.for %scan3A_49 = %scan3A to %scan3A_10 step %scan3A_11  : i32 {
      %mul3A_50 = arith.constant 16 : i32
      %mul3A_51 = arith.muli %scan3A_49, %mul3A_50 : i32
      %add3A_52 = arith.constant 0 : i32
      %add3A_53 = arith.addi %add3A_52, %mul3A_51 : i32
      %get3A = arith.index_cast %add3A_53 : i32 to index
      %get3A_54 = tpu.vector_load %arg8[%get3A] {strides = array<i32>} : memref<10240xf32, #tpu.memory_space<vmem>>, vector<16xf32>,
      %abs3A = math.absf %get3A_54 : vector<16xf32>
      %swap3A = arith.index_cast %add3A_53 : i32 to index
      %swap3A_55 = tpu.vector_load %arg8[%swap3A] {strides = array<i32>} : memref<10240xf32, #tpu.memory_space<vmem>>, vector<16xf32>,
      tpu.vector_store %arg8[%swap3A], %abs3A {strides = array<i32>} : memref<10240xf32, #tpu.memory_space<vmem>>, vector<16xf32>,
    }
    %scan3A_12 = arith.constant 640 : i32
    %barrier3A = arith.constant 0 : index
    tpu.barrier barrier_id(%barrier3A)
    %add3A_13 = arith.constant 0 : i32
    %add3A_14 = arith.addi %mul3A_2, %add3A_13 : i32
    %dma_start3A = tpu.memref_slice %arg3[%add3A_14] : memref<327680xi32, #tpu.memory_space<hbm>> -> memref<128xi32, #tpu.memory_space<hbm>>
    %dma_start3A_15 = tpu.memref_slice %arg3[%add3A_14] : memref<327680xi32, #tpu.memory_space<hbm>> -> memref<128xi32, #tpu.memory_space<hbm>>
    tpu.enqueue_dma source(%dma_start3A_15 : memref<128xi32, #tpu.memory_space<hbm>>) target(%arg9 : memref<128xi32, #tpu.memory_space<vmem>>) target_semaphore(%arg17 : memref<!tpu.dma_semaphore, #tpu.memory_space<semaphore_mem>>)
    %add3A_16 = arith.constant 128 : i32
    %add3A_17 = arith.addi %mul3A_2, %add3A_16 : i32
    %dma_start3A_18 = tpu.memref_slice %arg3[%add3A_17] : memref<327680xi32, #tpu.memory_space<hbm>> -> memref<128xi32, #tpu.memory_space<hbm>>
    %dma_start3A_19 = tpu.memref_slice %arg3[%add3A_17] : memref<327680xi32, #tpu.memory_space<hbm>> -> memref<128xi32, #tpu.memory_space<hbm>>
    tpu.enqueue_dma source(%dma_start3A_19 : memref<128xi32, #tpu.memory_space<hbm>>) target(%arg10 : memref<128xi32, #tpu.memory_space<vmem>>) target_semaphore(%arg18 : memref<!tpu.dma_semaphore, #tpu.memory_space<semaphore_mem>>)
    %add3A_20 = arith.constant 0 : i32
    %add3A_21 = arith.addi %mul3A_2, %add3A_20 : i32
    %dma_start3A_22 = tpu.memref_slice %arg4[%add3A_21] : memref<327680xi32, #tpu.memory_space<hbm>> -> memref<128xi32, #tpu.memory_space<hbm>>
    %dma_start3A_23 = tpu.memref_slice %arg4[%add3A_21] : memref<327680xi32, #tpu.memory_space<hbm>> -> memref<128xi32, #tpu.memory_space<hbm>>
    tpu.enqueue_dma source(%dma_start3A_23 : memref<128xi32, #tpu.memory_space<hbm>>) target(%arg11 : memref<128xi32, #tpu.memory_space<vmem>>) target_semaphore(%arg19 : memref<!tpu.dma_semaphore, #tpu.memory_space<semaphore_mem>>)
    %add3A_24 = arith.constant 128 : i32
    %add3A_25 = arith.addi %mul3A_2, %add3A_24 : i32
    %dma_start3A_26 = tpu.memref_slice %arg4[%add3A_25] : memref<327680xi32, #tpu.memory_space<hbm>> -> memref<128xi32, #tpu.memory_space<hbm>>
    %dma_start3A_27 = tpu.memref_slice %arg4[%add3A_25] : memref<327680xi32, #tpu.memory_space<hbm>> -> memref<128xi32, #tpu.memory_space<hbm>>
    tpu.enqueue_dma source(%dma_start3A_27 : memref<128xi32, #tpu.memory_space<hbm>>) target(%arg12 : memref<128xi32, #tpu.memory_space<vmem>>) target_semaphore(%arg20 : memref<!tpu.dma_semaphore, #tpu.memory_space<semaphore_mem>>)
    %add3A_28 = arith.constant 0 : i32
    %add3A_29 = arith.addi %mul3A_2, %add3A_28 : i32
    %dma_wait3A = tpu.memref_slice %arg3[%add3A_29] : memref<327680xi32, #tpu.memory_space<hbm>> -> memref<128xi32, #tpu.memory_space<hbm>>
    %dma_wait3A_30 = tpu.memref_slice %arg3[%add3A_29] : memref<327680xi32, #tpu.memory_space<hbm>> -> memref<128xi32, #tpu.memory_space<hbm>>
    tpu.wait_dma2 semaphore(%arg17 : memref<!tpu.dma_semaphore, #tpu.memory_space<semaphore_mem>>) src(%dma_wait3A_30 : memref<128xi32, #tpu.memory_space<hbm>>) dst(%arg9 : memref<128xi32, #tpu.memory_space<vmem>>)
    %dma_start3A_31 = arith.constant 0 : i32
    %dma_start3A_32 = arith.constant 0 : i32
    %dma_start3A_33 = tpu.memref_slice %arg2[%dma_start3A_31, %dma_start3A_32] : memref<10000x128xf32, #tpu.memory_space<hbm>> -> memref<10000x128xf32, #tpu.memory_space<hbm>>
    tpu.enqueue_indirect_dma source(%dma_start3A_33 : memref<10000x128xf32, #tpu.memory_space<hbm>>) target(%arg13 : memref<128x128xf32, #tpu.memory_space<vmem>>) offsets(%arg9 : memref<128xi32, #tpu.memory_space<vmem>>) semaphore(%arg15 : memref<!tpu.dma_semaphore, #tpu.memory_space<semaphore_mem>>)
    %scan3A_34 = arith.constant 0 : i32
    %scan3A_35 = arith.constant 40 : i32
    %scan3A_36 = arith.addi %scan3A_34, %scan3A_35 : i32
    %scan3A_37 = arith.constant 1 : i32
    scf.for %scan3A_49 = %scan3A_34 to %scan3A_36 step %scan3A_37  : i32 {
      %mul3A_50 = arith.constant 2 : i32
      %mul3A_51 = arith.muli %scan3A_49, %mul3A_50 : i32
      %add3A_52 = arith.constant 0 : i32
      %add3A_53 = arith.addi %add3A_52, %mul3A_51 : i32
      %dma_wait3A_54 = arith.constant 0 : i32
      %dma_wait3A_55 = arith.constant 0 : i32
      %dma_wait3A_56 = tpu.memref_slice %arg2[%dma_wait3A_54, %dma_wait3A_55] : memref<10000x128xf32, #tpu.memory_space<hbm>> -> memref<10000x128xf32, #tpu.memory_space<hbm>>
      tpu.wait_indirect_dma semaphore(%arg15 : memref<!tpu.dma_semaphore, #tpu.memory_space<semaphore_mem>>) src(%dma_wait3A_56 : memref<10000x128xf32, #tpu.memory_space<hbm>>) dst(%arg13 : memref<128x128xf32, #tpu.memory_space<vmem>>)
      %add3A_57 = arith.constant 2 : i32
      %add3A_58 = arith.addi %add3A_53, %add3A_57 : i32
      %lt3A = arith.constant 80 : i32
      %lt3A_59 = arith.cmpi slt, %add3A_58, %lt3A : i32
      %convert_element_type3A_60 = arith.extui %lt3A_59 : i1 to i32
      %cond3A_61 = arith.constant 0 : i32
      %cond3A_62 = arith.cmpi ne, %convert_element_type3A_60, %cond3A_61 : i32
      scf.if %cond3A_62 {
        %add3A_118 = arith.constant 2 : i32
        %add3A_119 = arith.addi %add3A_53, %add3A_118 : i32
        %mul3A_120 = arith.constant 128 : i32
        %mul3A_121 = arith.muli %add3A_119, %mul3A_120 : i32
        %add3A_122 = arith.addi %mul3A_2, %mul3A_121 : i32
        %dma_start3A_123 = tpu.memref_slice %arg3[%add3A_122] : memref<327680xi32, #tpu.memory_space<hbm>> -> memref<128xi32, #tpu.memory_space<hbm>>
        %dma_start3A_124 = tpu.memref_slice %arg3[%add3A_122] : memref<327680xi32, #tpu.memory_space<hbm>> -> memref<128xi32, #tpu.memory_space<hbm>>
        tpu.enqueue_dma source(%dma_start3A_124 : memref<128xi32, #tpu.memory_space<hbm>>) target(%arg9 : memref<128xi32, #tpu.memory_space<vmem>>) target_semaphore(%arg17 : memref<!tpu.dma_semaphore, #tpu.memory_space<semaphore_mem>>)
      } else {
      }
      %add3A_63 = arith.constant 1 : i32
      %add3A_64 = arith.addi %add3A_53, %add3A_63 : i32
      %lt3A_65 = arith.constant 80 : i32
      %lt3A_66 = arith.cmpi slt, %add3A_64, %lt3A_65 : i32
      %convert_element_type3A_67 = arith.extui %lt3A_66 : i1 to i32
      %cond3A_68 = arith.constant 0 : i32
      %cond3A_69 = arith.cmpi ne, %convert_element_type3A_67, %cond3A_68 : i32
      scf.if %cond3A_69 {
        %add3A_118 = arith.constant 1 : i32
        %add3A_119 = arith.addi %add3A_53, %add3A_118 : i32
        %mul3A_120 = arith.constant 128 : i32
        %mul3A_121 = arith.muli %add3A_119, %mul3A_120 : i32
        %add3A_122 = arith.addi %mul3A_2, %mul3A_121 : i32
        %dma_wait3A_123 = tpu.memref_slice %arg3[%add3A_122] : memref<327680xi32, #tpu.memory_space<hbm>> -> memref<128xi32, #tpu.memory_space<hbm>>
        %dma_wait3A_124 = tpu.memref_slice %arg3[%add3A_122] : memref<327680xi32, #tpu.memory_space<hbm>> -> memref<128xi32, #tpu.memory_space<hbm>>
        tpu.wait_dma2 semaphore(%arg18 : memref<!tpu.dma_semaphore, #tpu.memory_space<semaphore_mem>>) src(%dma_wait3A_124 : memref<128xi32, #tpu.memory_space<hbm>>) dst(%arg10 : memref<128xi32, #tpu.memory_space<vmem>>)
        %dma_start3A_125 = arith.constant 0 : i32
        %dma_start3A_126 = arith.constant 0 : i32
        %dma_start3A_127 = tpu.memref_slice %arg2[%dma_start3A_125, %dma_start3A_126] : memref<10000x128xf32, #tpu.memory_space<hbm>> -> memref<10000x128xf32, #tpu.memory_space<hbm>>
        tpu.enqueue_indirect_dma source(%dma_start3A_127 : memref<10000x128xf32, #tpu.memory_space<hbm>>) target(%arg14 : memref<128x128xf32, #tpu.memory_space<vmem>>) offsets(%arg10 : memref<128xi32, #tpu.memory_space<vmem>>) semaphore(%arg16 : memref<!tpu.dma_semaphore, #tpu.memory_space<semaphore_mem>>)
      } else {
      }
      %parallel_loop3A = arith.constant 0 : i32
      %parallel_loop3A_70 = arith.constant 128 : i32
      %parallel_loop3A_71 = arith.constant 1 : i32
      scf.for %parallel_loop3A_118 = %parallel_loop3A to %parallel_loop3A_70 step %parallel_loop3A_71  : i32 {
        %parallel_loop3A_119 = arith.constant 128 : i32
        %parallel_loop3A_120 = arith.muli %add3A_53, %parallel_loop3A_119 : i32
        %parallel_loop3A_121 = arith.addi %parallel_loop3A_120, %parallel_loop3A_118 : i32
        %parallel_loop3A_122 = vector.broadcast %parallel_loop3A_121 : i32 to vector<16xi32>
        %parallel_loop3A_123 = tpu.vector_load_idx %arg8[%parallel_loop3A_122] : memref<10240xf32, #tpu.memory_space<vmem>>[vector<16xi32>], vector<16xf32>,
        %parallel_loop3A_124 = arith.index_cast %parallel_loop3A_118 : i32 to index
        %parallel_loop3A_125 = arith.constant 0 : index
        %parallel_loop3A_126 = tpu.vector_load %arg13[%parallel_loop3A_124, %parallel_loop3A_125] {strides = array<i32>} : memref<128x128xf32, #tpu.memory_space<vmem>>, vector<16xf32>,
        %parallel_loop3A_127 = arith.mulf %parallel_loop3A_126, %parallel_loop3A_123 : vector<16xf32>
        %parallel_loop3A_128 = arith.index_cast %parallel_loop3A_118 : i32 to index
        %parallel_loop3A_129 = arith.constant 0 : index
        %parallel_loop3A_130 = tpu.vector_load %arg13[%parallel_loop3A_128, %parallel_loop3A_129] {strides = array<i32>} : memref<128x128xf32, #tpu.memory_space<vmem>>, vector<16xf32>,
        tpu.vector_store %arg13[%parallel_loop3A_128, %parallel_loop3A_129], %parallel_loop3A_127 {strides = array<i32>} : memref<128x128xf32, #tpu.memory_space<vmem>>, vector<16xf32>,
        %parallel_loop3A_131 = arith.index_cast %parallel_loop3A_118 : i32 to index
        %parallel_loop3A_132 = arith.constant 16 : index
        %parallel_loop3A_133 = tpu.vector_load %arg13[%parallel_loop3A_131, %parallel_loop3A_132] {strides = array<i32>} : memref<128x128xf32, #tpu.memory_space<vmem>>, vector<16xf32>,
        %parallel_loop3A_134 = arith.mulf %parallel_loop3A_133, %parallel_loop3A_123 : vector<16xf32>
        %parallel_loop3A_135 = arith.index_cast %parallel_loop3A_118 : i32 to index
        %parallel_loop3A_136 = arith.constant 16 : index
        %parallel_loop3A_137 = tpu.vector_load %arg13[%parallel_loop3A_135, %parallel_loop3A_136] {strides = array<i32>} : memref<128x128xf32, #tpu.memory_space<vmem>>, vector<16xf32>,
        tpu.vector_store %arg13[%parallel_loop3A_135, %parallel_loop3A_136], %parallel_loop3A_134 {strides = array<i32>} : memref<128x128xf32, #tpu.memory_space<vmem>>, vector<16xf32>,
        %parallel_loop3A_138 = arith.index_cast %parallel_loop3A_118 : i32 to index
        %parallel_loop3A_139 = arith.constant 32 : index
        %parallel_loop3A_140 = tpu.vector_load %arg13[%parallel_loop3A_138, %parallel_loop3A_139] {strides = array<i32>} : memref<128x128xf32, #tpu.memory_space<vmem>>, vector<16xf32>,
        %parallel_loop3A_141 = arith.mulf %parallel_loop3A_140, %parallel_loop3A_123 : vector<16xf32>
        %parallel_loop3A_142 = arith.index_cast %parallel_loop3A_118 : i32 to index
        %parallel_loop3A_143 = arith.constant 32 : index
        %parallel_loop3A_144 = tpu.vector_load %arg13[%parallel_loop3A_142, %parallel_loop3A_143] {strides = array<i32>} : memref<128x128xf32, #tpu.memory_space<vmem>>, vector<16xf32>,
        tpu.vector_store %arg13[%parallel_loop3A_142, %parallel_loop3A_143], %parallel_loop3A_141 {strides = array<i32>} : memref<128x128xf32, #tpu.memory_space<vmem>>, vector<16xf32>,
        %parallel_loop3A_145 = arith.index_cast %parallel_loop3A_118 : i32 to index
        %parallel_loop3A_146 = arith.constant 48 : index
        %parallel_loop3A_147 = tpu.vector_load %arg13[%parallel_loop3A_145, %parallel_loop3A_146] {strides = array<i32>} : memref<128x128xf32, #tpu.memory_space<vmem>>, vector<16xf32>,
        %parallel_loop3A_148 = arith.mulf %parallel_loop3A_147, %parallel_loop3A_123 : vector<16xf32>
        %parallel_loop3A_149 = arith.index_cast %parallel_loop3A_118 : i32 to index
        %parallel_loop3A_150 = arith.constant 48 : index
        %parallel_loop3A_151 = tpu.vector_load %arg13[%parallel_loop3A_149, %parallel_loop3A_150] {strides = array<i32>} : memref<128x128xf32, #tpu.memory_space<vmem>>, vector<16xf32>,
        tpu.vector_store %arg13[%parallel_loop3A_149, %parallel_loop3A_150], %parallel_loop3A_148 {strides = array<i32>} : memref<128x128xf32, #tpu.memory_space<vmem>>, vector<16xf32>,
        %parallel_loop3A_152 = arith.index_cast %parallel_loop3A_118 : i32 to index
        %parallel_loop3A_153 = arith.constant 64 : index
        %parallel_loop3A_154 = tpu.vector_load %arg13[%parallel_loop3A_152, %parallel_loop3A_153] {strides = array<i32>} : memref<128x128xf32, #tpu.memory_space<vmem>>, vector<16xf32>,
        %parallel_loop3A_155 = arith.mulf %parallel_loop3A_154, %parallel_loop3A_123 : vector<16xf32>
        %parallel_loop3A_156 = arith.index_cast %parallel_loop3A_118 : i32 to index
        %parallel_loop3A_157 = arith.constant 64 : index
        %parallel_loop3A_158 = tpu.vector_load %arg13[%parallel_loop3A_156, %parallel_loop3A_157] {strides = array<i32>} : memref<128x128xf32, #tpu.memory_space<vmem>>, vector<16xf32>,
        tpu.vector_store %arg13[%parallel_loop3A_156, %parallel_loop3A_157], %parallel_loop3A_155 {strides = array<i32>} : memref<128x128xf32, #tpu.memory_space<vmem>>, vector<16xf32>,
        %parallel_loop3A_159 = arith.index_cast %parallel_loop3A_118 : i32 to index
        %parallel_loop3A_160 = arith.constant 80 : index
        %parallel_loop3A_161 = tpu.vector_load %arg13[%parallel_loop3A_159, %parallel_loop3A_160] {strides = array<i32>} : memref<128x128xf32, #tpu.memory_space<vmem>>, vector<16xf32>,
        %parallel_loop3A_162 = arith.mulf %parallel_loop3A_161, %parallel_loop3A_123 : vector<16xf32>
        %parallel_loop3A_163 = arith.index_cast %parallel_loop3A_118 : i32 to index
        %parallel_loop3A_164 = arith.constant 80 : index
        %parallel_loop3A_165 = tpu.vector_load %arg13[%parallel_loop3A_163, %parallel_loop3A_164] {strides = array<i32>} : memref<128x128xf32, #tpu.memory_space<vmem>>, vector<16xf32>,
        tpu.vector_store %arg13[%parallel_loop3A_163, %parallel_loop3A_164], %parallel_loop3A_162 {strides = array<i32>} : memref<128x128xf32, #tpu.memory_space<vmem>>, vector<16xf32>,
        %parallel_loop3A_166 = arith.index_cast %parallel_loop3A_118 : i32 to index
        %parallel_loop3A_167 = arith.constant 96 : index
        %parallel_loop3A_168 = tpu.vector_load %arg13[%parallel_loop3A_166, %parallel_loop3A_167] {strides = array<i32>} : memref<128x128xf32, #tpu.memory_space<vmem>>, vector<16xf32>,
        %parallel_loop3A_169 = arith.mulf %parallel_loop3A_168, %parallel_loop3A_123 : vector<16xf32>
        %parallel_loop3A_170 = arith.index_cast %parallel_loop3A_118 : i32 to index
        %parallel_loop3A_171 = arith.constant 96 : index
        %parallel_loop3A_172 = tpu.vector_load %arg13[%parallel_loop3A_170, %parallel_loop3A_171] {strides = array<i32>} : memref<128x128xf32, #tpu.memory_space<vmem>>, vector<16xf32>,
        tpu.vector_store %arg13[%parallel_loop3A_170, %parallel_loop3A_171], %parallel_loop3A_169 {strides = array<i32>} : memref<128x128xf32, #tpu.memory_space<vmem>>, vector<16xf32>,
        %parallel_loop3A_173 = arith.index_cast %parallel_loop3A_118 : i32 to index
        %parallel_loop3A_174 = arith.constant 112 : index
        %parallel_loop3A_175 = tpu.vector_load %arg13[%parallel_loop3A_173, %parallel_loop3A_174] {strides = array<i32>} : memref<128x128xf32, #tpu.memory_space<vmem>>, vector<16xf32>,
        %parallel_loop3A_176 = arith.mulf %parallel_loop3A_175, %parallel_loop3A_123 : vector<16xf32>
        %parallel_loop3A_177 = arith.index_cast %parallel_loop3A_118 : i32 to index
        %parallel_loop3A_178 = arith.constant 112 : index
        %parallel_loop3A_179 = tpu.vector_load %arg13[%parallel_loop3A_177, %parallel_loop3A_178] {strides = array<i32>} : memref<128x128xf32, #tpu.memory_space<vmem>>, vector<16xf32>,
        tpu.vector_store %arg13[%parallel_loop3A_177, %parallel_loop3A_178], %parallel_loop3A_176 {strides = array<i32>} : memref<128x128xf32, #tpu.memory_space<vmem>>, vector<16xf32>,
      } {sc.loop_unroll_factor = 8 : i64, sc.parallel_access}
      %mul3A_72 = arith.constant 128 : i32
      %mul3A_73 = arith.muli %add3A_53, %mul3A_72 : i32
      %add3A_74 = arith.addi %mul3A_2, %mul3A_73 : i32
      %dma_wait3A_75 = tpu.memref_slice %arg4[%add3A_74] : memref<327680xi32, #tpu.memory_space<hbm>> -> memref<128xi32, #tpu.memory_space<hbm>>
      %dma_wait3A_76 = tpu.memref_slice %arg4[%add3A_74] : memref<327680xi32, #tpu.memory_space<hbm>> -> memref<128xi32, #tpu.memory_space<hbm>>
      tpu.wait_dma2 semaphore(%arg19 : memref<!tpu.dma_semaphore, #tpu.memory_space<semaphore_mem>>) src(%dma_wait3A_76 : memref<128xi32, #tpu.memory_space<hbm>>) dst(%arg11 : memref<128xi32, #tpu.memory_space<vmem>>)
      "tpu.region"() ({
        %run_scoped3A = tpu.sem_alloc : memref<!tpu.dma_semaphore, #tpu.memory_space<semaphore_mem>>
        %dma_start3A_118 = arith.constant 0 : i32
        %dma_start3A_119 = arith.constant 0 : i32
        %dma_start3A_120 = tpu.memref_slice %arg21[%dma_start3A_118, %dma_start3A_119] : memref<10000x128xf32, #tpu.memory_space<vmem_shared>> -> memref<10000x128xf32, #tpu.memory_space<vmem_shared>>
        tpu.enqueue_indirect_dma source(%arg13 : memref<128x128xf32, #tpu.memory_space<vmem>>) target(%dma_start3A_120 : memref<10000x128xf32, #tpu.memory_space<vmem_shared>>) offsets(%arg11 : memref<128xi32, #tpu.memory_space<vmem>>) semaphore(%run_scoped3A : memref<!tpu.dma_semaphore, #tpu.memory_space<semaphore_mem>>) {add = true}
        %dma_wait3A_121 = arith.constant 0 : i32
        %dma_wait3A_122 = arith.constant 0 : i32
        %dma_wait3A_123 = tpu.memref_slice %arg21[%dma_wait3A_121, %dma_wait3A_122] : memref<10000x128xf32, #tpu.memory_space<vmem_shared>> -> memref<10000x128xf32, #tpu.memory_space<vmem_shared>>
        tpu.wait_indirect_dma semaphore(%run_scoped3A : memref<!tpu.dma_semaphore, #tpu.memory_space<semaphore_mem>>) src(%arg13 : memref<128x128xf32, #tpu.memory_space<vmem>>) dst(%dma_wait3A_123 : memref<10000x128xf32, #tpu.memory_space<vmem_shared>>)
        tpu.yield
      }) : () -> ()
      %add3A_77 = arith.constant 2 : i32
      %add3A_78 = arith.addi %add3A_53, %add3A_77 : i32
      %lt3A_79 = arith.constant 80 : i32
      %lt3A_80 = arith.cmpi slt, %add3A_78, %lt3A_79 : i32
      %convert_element_type3A_81 = arith.extui %lt3A_80 : i1 to i32
      %cond3A_82 = arith.constant 0 : i32
      %cond3A_83 = arith.cmpi ne, %convert_element_type3A_81, %cond3A_82 : i32
      scf.if %cond3A_83 {
        %add3A_118 = arith.constant 2 : i32
        %add3A_119 = arith.addi %add3A_53, %add3A_118 : i32
        %mul3A_120 = arith.constant 128 : i32
        %mul3A_121 = arith.muli %add3A_119, %mul3A_120 : i32
        %add3A_122 = arith.addi %mul3A_2, %mul3A_121 : i32
        %dma_start3A_123 = tpu.memref_slice %arg4[%add3A_122] : memref<327680xi32, #tpu.memory_space<hbm>> -> memref<128xi32, #tpu.memory_space<hbm>>
        %dma_start3A_124 = tpu.memref_slice %arg4[%add3A_122] : memref<327680xi32, #tpu.memory_space<hbm>> -> memref<128xi32, #tpu.memory_space<hbm>>
        tpu.enqueue_dma source(%dma_start3A_124 : memref<128xi32, #tpu.memory_space<hbm>>) target(%arg11 : memref<128xi32, #tpu.memory_space<vmem>>) target_semaphore(%arg19 : memref<!tpu.dma_semaphore, #tpu.memory_space<semaphore_mem>>)
      } else {
      }
      %add3A_84 = arith.constant 1 : i32
      %add3A_85 = arith.addi %add3A_53, %add3A_84 : i32
      %dma_wait3A_86 = arith.constant 0 : i32
      %dma_wait3A_87 = arith.constant 0 : i32
      %dma_wait3A_88 = tpu.memref_slice %arg2[%dma_wait3A_86, %dma_wait3A_87] : memref<10000x128xf32, #tpu.memory_space<hbm>> -> memref<10000x128xf32, #tpu.memory_space<hbm>>
      tpu.wait_indirect_dma semaphore(%arg16 : memref<!tpu.dma_semaphore, #tpu.memory_space<semaphore_mem>>) src(%dma_wait3A_88 : memref<10000x128xf32, #tpu.memory_space<hbm>>) dst(%arg14 : memref<128x128xf32, #tpu.memory_space<vmem>>)
      %add3A_89 = arith.constant 2 : i32
      %add3A_90 = arith.addi %add3A_85, %add3A_89 : i32
      %lt3A_91 = arith.constant 80 : i32
      %lt3A_92 = arith.cmpi slt, %add3A_90, %lt3A_91 : i32
      %convert_element_type3A_93 = arith.extui %lt3A_92 : i1 to i32
      %cond3A_94 = arith.constant 0 : i32
      %cond3A_95 = arith.cmpi ne, %convert_element_type3A_93, %cond3A_94 : i32
      scf.if %cond3A_95 {
        %add3A_118 = arith.constant 2 : i32
        %add3A_119 = arith.addi %add3A_85, %add3A_118 : i32
        %mul3A_120 = arith.constant 128 : i32
        %mul3A_121 = arith.muli %add3A_119, %mul3A_120 : i32
        %add3A_122 = arith.addi %mul3A_2, %mul3A_121 : i32
        %dma_start3A_123 = tpu.memref_slice %arg3[%add3A_122] : memref<327680xi32, #tpu.memory_space<hbm>> -> memref<128xi32, #tpu.memory_space<hbm>>
        %dma_start3A_124 = tpu.memref_slice %arg3[%add3A_122] : memref<327680xi32, #tpu.memory_space<hbm>> -> memref<128xi32, #tpu.memory_space<hbm>>
        tpu.enqueue_dma source(%dma_start3A_124 : memref<128xi32, #tpu.memory_space<hbm>>) target(%arg10 : memref<128xi32, #tpu.memory_space<vmem>>) target_semaphore(%arg18 : memref<!tpu.dma_semaphore, #tpu.memory_space<semaphore_mem>>)
      } else {
      }
      %add3A_96 = arith.constant 1 : i32
      %add3A_97 = arith.addi %add3A_85, %add3A_96 : i32
      %lt3A_98 = arith.constant 80 : i32
      %lt3A_99 = arith.cmpi slt, %add3A_97, %lt3A_98 : i32
      %convert_element_type3A_100 = arith.extui %lt3A_99 : i1 to i32
      %cond3A_101 = arith.constant 0 : i32
      %cond3A_102 = arith.cmpi ne, %convert_element_type3A_100, %cond3A_101 : i32
      scf.if %cond3A_102 {
        %add3A_118 = arith.constant 1 : i32
        %add3A_119 = arith.addi %add3A_85, %add3A_118 : i32
        %mul3A_120 = arith.constant 128 : i32
        %mul3A_121 = arith.muli %add3A_119, %mul3A_120 : i32
        %add3A_122 = arith.addi %mul3A_2, %mul3A_121 : i32
        %dma_wait3A_123 = tpu.memref_slice %arg3[%add3A_122] : memref<327680xi32, #tpu.memory_space<hbm>> -> memref<128xi32, #tpu.memory_space<hbm>>
        %dma_wait3A_124 = tpu.memref_slice %arg3[%add3A_122] : memref<327680xi32, #tpu.memory_space<hbm>> -> memref<128xi32, #tpu.memory_space<hbm>>
        tpu.wait_dma2 semaphore(%arg17 : memref<!tpu.dma_semaphore, #tpu.memory_space<semaphore_mem>>) src(%dma_wait3A_124 : memref<128xi32, #tpu.memory_space<hbm>>) dst(%arg9 : memref<128xi32, #tpu.memory_space<vmem>>)
        %dma_start3A_125 = arith.constant 0 : i32
        %dma_start3A_126 = arith.constant 0 : i32
        %dma_start3A_127 = tpu.memref_slice %arg2[%dma_start3A_125, %dma_start3A_126] : memref<10000x128xf32, #tpu.memory_space<hbm>> -> memref<10000x128xf32, #tpu.memory_space<hbm>>
        tpu.enqueue_indirect_dma source(%dma_start3A_127 : memref<10000x128xf32, #tpu.memory_space<hbm>>) target(%arg13 : memref<128x128xf32, #tpu.memory_space<vmem>>) offsets(%arg9 : memref<128xi32, #tpu.memory_space<vmem>>) semaphore(%arg15 : memref<!tpu.dma_semaphore, #tpu.memory_space<semaphore_mem>>)
      } else {
      }
      %parallel_loop3A_103 = arith.constant 0 : i32
      %parallel_loop3A_104 = arith.constant 128 : i32
      %parallel_loop3A_105 = arith.constant 1 : i32
      scf.for %parallel_loop3A_118 = %parallel_loop3A_103 to %parallel_loop3A_104 step %parallel_loop3A_105  : i32 {
        %parallel_loop3A_119 = arith.constant 128 : i32
        %parallel_loop3A_120 = arith.muli %add3A_85, %parallel_loop3A_119 : i32
        %parallel_loop3A_121 = arith.addi %parallel_loop3A_120, %parallel_loop3A_118 : i32
        %parallel_loop3A_122 = vector.broadcast %parallel_loop3A_121 : i32 to vector<16xi32>
        %parallel_loop3A_123 = tpu.vector_load_idx %arg8[%parallel_loop3A_122] : memref<10240xf32, #tpu.memory_space<vmem>>[vector<16xi32>], vector<16xf32>,
        %parallel_loop3A_124 = arith.index_cast %parallel_loop3A_118 : i32 to index
        %parallel_loop3A_125 = arith.constant 0 : index
        %parallel_loop3A_126 = tpu.vector_load %arg14[%parallel_loop3A_124, %parallel_loop3A_125] {strides = array<i32>} : memref<128x128xf32, #tpu.memory_space<vmem>>, vector<16xf32>,
        %parallel_loop3A_127 = arith.mulf %parallel_loop3A_126, %parallel_loop3A_123 : vector<16xf32>
        %parallel_loop3A_128 = arith.index_cast %parallel_loop3A_118 : i32 to index
        %parallel_loop3A_129 = arith.constant 0 : index
        %parallel_loop3A_130 = tpu.vector_load %arg14[%parallel_loop3A_128, %parallel_loop3A_129] {strides = array<i32>} : memref<128x128xf32, #tpu.memory_space<vmem>>, vector<16xf32>,
        tpu.vector_store %arg14[%parallel_loop3A_128, %parallel_loop3A_129], %parallel_loop3A_127 {strides = array<i32>} : memref<128x128xf32, #tpu.memory_space<vmem>>, vector<16xf32>,
        %parallel_loop3A_131 = arith.index_cast %parallel_loop3A_118 : i32 to index
        %parallel_loop3A_132 = arith.constant 16 : index
        %parallel_loop3A_133 = tpu.vector_load %arg14[%parallel_loop3A_131, %parallel_loop3A_132] {strides = array<i32>} : memref<128x128xf32, #tpu.memory_space<vmem>>, vector<16xf32>,
        %parallel_loop3A_134 = arith.mulf %parallel_loop3A_133, %parallel_loop3A_123 : vector<16xf32>
        %parallel_loop3A_135 = arith.index_cast %parallel_loop3A_118 : i32 to index
        %parallel_loop3A_136 = arith.constant 16 : index
        %parallel_loop3A_137 = tpu.vector_load %arg14[%parallel_loop3A_135, %parallel_loop3A_136] {strides = array<i32>} : memref<128x128xf32, #tpu.memory_space<vmem>>, vector<16xf32>,
        tpu.vector_store %arg14[%parallel_loop3A_135, %parallel_loop3A_136], %parallel_loop3A_134 {strides = array<i32>} : memref<128x128xf32, #tpu.memory_space<vmem>>, vector<16xf32>,
        %parallel_loop3A_138 = arith.index_cast %parallel_loop3A_118 : i32 to index
        %parallel_loop3A_139 = arith.constant 32 : index
        %parallel_loop3A_140 = tpu.vector_load %arg14[%parallel_loop3A_138, %parallel_loop3A_139] {strides = array<i32>} : memref<128x128xf32, #tpu.memory_space<vmem>>, vector<16xf32>,
        %parallel_loop3A_141 = arith.mulf %parallel_loop3A_140, %parallel_loop3A_123 : vector<16xf32>
        %parallel_loop3A_142 = arith.index_cast %parallel_loop3A_118 : i32 to index
        %parallel_loop3A_143 = arith.constant 32 : index
        %parallel_loop3A_144 = tpu.vector_load %arg14[%parallel_loop3A_142, %parallel_loop3A_143] {strides = array<i32>} : memref<128x128xf32, #tpu.memory_space<vmem>>, vector<16xf32>,
        tpu.vector_store %arg14[%parallel_loop3A_142, %parallel_loop3A_143], %parallel_loop3A_141 {strides = array<i32>} : memref<128x128xf32, #tpu.memory_space<vmem>>, vector<16xf32>,
        %parallel_loop3A_145 = arith.index_cast %parallel_loop3A_118 : i32 to index
        %parallel_loop3A_146 = arith.constant 48 : index
        %parallel_loop3A_147 = tpu.vector_load %arg14[%parallel_loop3A_145, %parallel_loop3A_146] {strides = array<i32>} : memref<128x128xf32, #tpu.memory_space<vmem>>, vector<16xf32>,
        %parallel_loop3A_148 = arith.mulf %parallel_loop3A_147, %parallel_loop3A_123 : vector<16xf32>
        %parallel_loop3A_149 = arith.index_cast %parallel_loop3A_118 : i32 to index
        %parallel_loop3A_150 = arith.constant 48 : index
        %parallel_loop3A_151 = tpu.vector_load %arg14[%parallel_loop3A_149, %parallel_loop3A_150] {strides = array<i32>} : memref<128x128xf32, #tpu.memory_space<vmem>>, vector<16xf32>,
        tpu.vector_store %arg14[%parallel_loop3A_149, %parallel_loop3A_150], %parallel_loop3A_148 {strides = array<i32>} : memref<128x128xf32, #tpu.memory_space<vmem>>, vector<16xf32>,
        %parallel_loop3A_152 = arith.index_cast %parallel_loop3A_118 : i32 to index
        %parallel_loop3A_153 = arith.constant 64 : index
        %parallel_loop3A_154 = tpu.vector_load %arg14[%parallel_loop3A_152, %parallel_loop3A_153] {strides = array<i32>} : memref<128x128xf32, #tpu.memory_space<vmem>>, vector<16xf32>,
        %parallel_loop3A_155 = arith.mulf %parallel_loop3A_154, %parallel_loop3A_123 : vector<16xf32>
        %parallel_loop3A_156 = arith.index_cast %parallel_loop3A_118 : i32 to index
        %parallel_loop3A_157 = arith.constant 64 : index
        %parallel_loop3A_158 = tpu.vector_load %arg14[%parallel_loop3A_156, %parallel_loop3A_157] {strides = array<i32>} : memref<128x128xf32, #tpu.memory_space<vmem>>, vector<16xf32>,
        tpu.vector_store %arg14[%parallel_loop3A_156, %parallel_loop3A_157], %parallel_loop3A_155 {strides = array<i32>} : memref<128x128xf32, #tpu.memory_space<vmem>>, vector<16xf32>,
        %parallel_loop3A_159 = arith.index_cast %parallel_loop3A_118 : i32 to index
        %parallel_loop3A_160 = arith.constant 80 : index
        %parallel_loop3A_161 = tpu.vector_load %arg14[%parallel_loop3A_159, %parallel_loop3A_160] {strides = array<i32>} : memref<128x128xf32, #tpu.memory_space<vmem>>, vector<16xf32>,
        %parallel_loop3A_162 = arith.mulf %parallel_loop3A_161, %parallel_loop3A_123 : vector<16xf32>
        %parallel_loop3A_163 = arith.index_cast %parallel_loop3A_118 : i32 to index
        %parallel_loop3A_164 = arith.constant 80 : index
        %parallel_loop3A_165 = tpu.vector_load %arg14[%parallel_loop3A_163, %parallel_loop3A_164] {strides = array<i32>} : memref<128x128xf32, #tpu.memory_space<vmem>>, vector<16xf32>,
        tpu.vector_store %arg14[%parallel_loop3A_163, %parallel_loop3A_164], %parallel_loop3A_162 {strides = array<i32>} : memref<128x128xf32, #tpu.memory_space<vmem>>, vector<16xf32>,
        %parallel_loop3A_166 = arith.index_cast %parallel_loop3A_118 : i32 to index
        %parallel_loop3A_167 = arith.constant 96 : index
        %parallel_loop3A_168 = tpu.vector_load %arg14[%parallel_loop3A_166, %parallel_loop3A_167] {strides = array<i32>} : memref<128x128xf32, #tpu.memory_space<vmem>>, vector<16xf32>,
        %parallel_loop3A_169 = arith.mulf %parallel_loop3A_168, %parallel_loop3A_123 : vector<16xf32>
        %parallel_loop3A_170 = arith.index_cast %parallel_loop3A_118 : i32 to index
        %parallel_loop3A_171 = arith.constant 96 : index
        %parallel_loop3A_172 = tpu.vector_load %arg14[%parallel_loop3A_170, %parallel_loop3A_171] {strides = array<i32>} : memref<128x128xf32, #tpu.memory_space<vmem>>, vector<16xf32>,
        tpu.vector_store %arg14[%parallel_loop3A_170, %parallel_loop3A_171], %parallel_loop3A_169 {strides = array<i32>} : memref<128x128xf32, #tpu.memory_space<vmem>>, vector<16xf32>,
        %parallel_loop3A_173 = arith.index_cast %parallel_loop3A_118 : i32 to index
        %parallel_loop3A_174 = arith.constant 112 : index
        %parallel_loop3A_175 = tpu.vector_load %arg14[%parallel_loop3A_173, %parallel_loop3A_174] {strides = array<i32>} : memref<128x128xf32, #tpu.memory_space<vmem>>, vector<16xf32>,
        %parallel_loop3A_176 = arith.mulf %parallel_loop3A_175, %parallel_loop3A_123 : vector<16xf32>
        %parallel_loop3A_177 = arith.index_cast %parallel_loop3A_118 : i32 to index
        %parallel_loop3A_178 = arith.constant 112 : index
        %parallel_loop3A_179 = tpu.vector_load %arg14[%parallel_loop3A_177, %parallel_loop3A_178] {strides = array<i32>} : memref<128x128xf32, #tpu.memory_space<vmem>>, vector<16xf32>,
        tpu.vector_store %arg14[%parallel_loop3A_177, %parallel_loop3A_178], %parallel_loop3A_176 {strides = array<i32>} : memref<128x128xf32, #tpu.memory_space<vmem>>, vector<16xf32>,
      } {sc.loop_unroll_factor = 8 : i64, sc.parallel_access}
      %mul3A_106 = arith.constant 128 : i32
      %mul3A_107 = arith.muli %add3A_85, %mul3A_106 : i32
      %add3A_108 = arith.addi %mul3A_2, %mul3A_107 : i32
      %dma_wait3A_109 = tpu.memref_slice %arg4[%add3A_108] : memref<327680xi32, #tpu.memory_space<hbm>> -> memref<128xi32, #tpu.memory_space<hbm>>
      %dma_wait3A_110 = tpu.memref_slice %arg4[%add3A_108] : memref<327680xi32, #tpu.memory_space<hbm>> -> memref<128xi32, #tpu.memory_space<hbm>>
      tpu.wait_dma2 semaphore(%arg20 : memref<!tpu.dma_semaphore, #tpu.memory_space<semaphore_mem>>) src(%dma_wait3A_110 : memref<128xi32, #tpu.memory_space<hbm>>) dst(%arg12 : memref<128xi32, #tpu.memory_space<vmem>>)
      "tpu.region"() ({
        %run_scoped3A = tpu.sem_alloc : memref<!tpu.dma_semaphore, #tpu.memory_space<semaphore_mem>>
        %dma_start3A_118 = arith.constant 0 : i32
        %dma_start3A_119 = arith.constant 0 : i32
        %dma_start3A_120 = tpu.memref_slice %arg21[%dma_start3A_118, %dma_start3A_119] : memref<10000x128xf32, #tpu.memory_space<vmem_shared>> -> memref<10000x128xf32, #tpu.memory_space<vmem_shared>>
        tpu.enqueue_indirect_dma source(%arg14 : memref<128x128xf32, #tpu.memory_space<vmem>>) target(%dma_start3A_120 : memref<10000x128xf32, #tpu.memory_space<vmem_shared>>) offsets(%arg12 : memref<128xi32, #tpu.memory_space<vmem>>) semaphore(%run_scoped3A : memref<!tpu.dma_semaphore, #tpu.memory_space<semaphore_mem>>) {add = true}
        %dma_wait3A_121 = arith.constant 0 : i32
        %dma_wait3A_122 = arith.constant 0 : i32
        %dma_wait3A_123 = tpu.memref_slice %arg21[%dma_wait3A_121, %dma_wait3A_122] : memref<10000x128xf32, #tpu.memory_space<vmem_shared>> -> memref<10000x128xf32, #tpu.memory_space<vmem_shared>>
        tpu.wait_indirect_dma semaphore(%run_scoped3A : memref<!tpu.dma_semaphore, #tpu.memory_space<semaphore_mem>>) src(%arg14 : memref<128x128xf32, #tpu.memory_space<vmem>>) dst(%dma_wait3A_123 : memref<10000x128xf32, #tpu.memory_space<vmem_shared>>)
        tpu.yield
      }) : () -> ()
      %add3A_111 = arith.constant 2 : i32
      %add3A_112 = arith.addi %add3A_85, %add3A_111 : i32
      %lt3A_113 = arith.constant 80 : i32
      %lt3A_114 = arith.cmpi slt, %add3A_112, %lt3A_113 : i32
      %convert_element_type3A_115 = arith.extui %lt3A_114 : i1 to i32
      %cond3A_116 = arith.constant 0 : i32
      %cond3A_117 = arith.cmpi ne, %convert_element_type3A_115, %cond3A_116 : i32
      scf.if %cond3A_117 {
        %add3A_118 = arith.constant 2 : i32
        %add3A_119 = arith.addi %add3A_85, %add3A_118 : i32
        %mul3A_120 = arith.constant 128 : i32
        %mul3A_121 = arith.muli %add3A_119, %mul3A_120 : i32
        %add3A_122 = arith.addi %mul3A_2, %mul3A_121 : i32
        %dma_start3A_123 = tpu.memref_slice %arg4[%add3A_122] : memref<327680xi32, #tpu.memory_space<hbm>> -> memref<128xi32, #tpu.memory_space<hbm>>
        %dma_start3A_124 = tpu.memref_slice %arg4[%add3A_122] : memref<327680xi32, #tpu.memory_space<hbm>> -> memref<128xi32, #tpu.memory_space<hbm>>
        tpu.enqueue_dma source(%dma_start3A_124 : memref<128xi32, #tpu.memory_space<hbm>>) target(%arg12 : memref<128xi32, #tpu.memory_space<vmem>>) target_semaphore(%arg20 : memref<!tpu.dma_semaphore, #tpu.memory_space<semaphore_mem>>)
      } else {
      }
    }
    %scan3A_38 = arith.constant 40 : i32
    %barrier3A_39 = arith.constant 0 : index
    tpu.barrier barrier_id(%barrier3A_39)
    %mul3A_40 = arith.constant 624 : i32
    %mul3A_41 = arith.muli %arg1, %mul3A_40 : i32
    %mul3A_42 = arith.constant 624 : i32
    %mul3A_43 = arith.muli %arg1, %mul3A_42 : i32
    "tpu.region"() ({
      %run_scoped3A = tpu.sem_alloc : memref<!tpu.dma_semaphore, #tpu.memory_space<semaphore_mem>>
      %dma_start3A_49 = arith.constant 0 : i32
      %dma_start3A_50 = tpu.memref_slice %arg7[%arg0, %mul3A_43, %dma_start3A_49] : memref<2x10000x128xf32, #tpu.memory_space<hbm>> -> memref<1x624x128xf32, #tpu.memory_space<hbm>>
      %dma_start3A_51 = tpu.memref_squeeze %dma_start3A_50 : memref<1x624x128xf32, #tpu.memory_space<hbm>> -> memref<624x128xf32, #tpu.memory_space<hbm>>
      %dma_start3A_52 = arith.constant 0 : i32
      %dma_start3A_53 = tpu.memref_slice %arg21[%mul3A_41, %dma_start3A_52] : memref<10000x128xf32, #tpu.memory_space<vmem_shared>> -> memref<624x128xf32, #tpu.memory_space<vmem_shared>>
      tpu.enqueue_dma source(%dma_start3A_53 : memref<624x128xf32, #tpu.memory_space<vmem_shared>>) target(%dma_start3A_51 : memref<624x128xf32, #tpu.memory_space<hbm>>) target_semaphore(%run_scoped3A : memref<!tpu.dma_semaphore, #tpu.memory_space<semaphore_mem>>)
      %dma_wait3A_54 = arith.constant 0 : i32
      %dma_wait3A_55 = tpu.memref_slice %arg7[%arg0, %mul3A_43, %dma_wait3A_54] : memref<2x10000x128xf32, #tpu.memory_space<hbm>> -> memref<1x624x128xf32, #tpu.memory_space<hbm>>
      %dma_wait3A_56 = tpu.memref_squeeze %dma_wait3A_55 : memref<1x624x128xf32, #tpu.memory_space<hbm>> -> memref<624x128xf32, #tpu.memory_space<hbm>>
      %dma_wait3A_57 = arith.constant 0 : i32
      %dma_wait3A_58 = tpu.memref_slice %arg21[%mul3A_41, %dma_wait3A_57] : memref<10000x128xf32, #tpu.memory_space<vmem_shared>> -> memref<624x128xf32, #tpu.memory_space<vmem_shared>>
      tpu.wait_dma2 semaphore(%run_scoped3A : memref<!tpu.dma_semaphore, #tpu.memory_space<semaphore_mem>>) src(%dma_wait3A_58 : memref<624x128xf32, #tpu.memory_space<vmem_shared>>) dst(%dma_wait3A_56 : memref<624x128xf32, #tpu.memory_space<hbm>>)
      tpu.yield
    }) : () -> ()
    %eq3A_44 = arith.constant 15 : i32
    %eq3A_45 = arith.cmpi eq, %arg1, %eq3A_44 : i32
    %convert_element_type3A_46 = arith.extui %eq3A_45 : i1 to i32
    %cond3A_47 = arith.constant 0 : i32
    %cond3A_48 = arith.cmpi ne, %convert_element_type3A_46, %cond3A_47 : i32
    scf.if %cond3A_48 {
      "tpu.region"() ({
        %run_scoped3A = tpu.sem_alloc : memref<!tpu.dma_semaphore, #tpu.memory_space<semaphore_mem>>
        %dma_start3A_49 = arith.constant 9984 : i32
        %dma_start3A_50 = arith.constant 0 : i32
        %dma_start3A_51 = tpu.memref_slice %arg7[%arg0, %dma_start3A_49, %dma_start3A_50] : memref<2x10000x128xf32, #tpu.memory_space<hbm>> -> memref<1x16x128xf32, #tpu.memory_space<hbm>>
        %dma_start3A_52 = tpu.memref_squeeze %dma_start3A_51 : memref<1x16x128xf32, #tpu.memory_space<hbm>> -> memref<16x128xf32, #tpu.memory_space<hbm>>
        %dma_start3A_53 = arith.constant 9984 : i32
        %dma_start3A_54 = arith.constant 0 : i32
        %dma_start3A_55 = tpu.memref_slice %arg21[%dma_start3A_53, %dma_start3A_54] : memref<10000x128xf32, #tpu.memory_space<vmem_shared>> -> memref<16x128xf32, #tpu.memory_space<vmem_shared>>
        tpu.enqueue_dma source(%dma_start3A_55 : memref<16x128xf32, #tpu.memory_space<vmem_shared>>) target(%dma_start3A_52 : memref<16x128xf32, #tpu.memory_space<hbm>>) target_semaphore(%run_scoped3A : memref<!tpu.dma_semaphore, #tpu.memory_space<semaphore_mem>>)
        %dma_wait3A_56 = arith.constant 9984 : i32
        %dma_wait3A_57 = arith.constant 0 : i32
        %dma_wait3A_58 = tpu.memref_slice %arg7[%arg0, %dma_wait3A_56, %dma_wait3A_57] : memref<2x10000x128xf32, #tpu.memory_space<hbm>> -> memref<1x16x128xf32, #tpu.memory_space<hbm>>
        %dma_wait3A_59 = tpu.memref_squeeze %dma_wait3A_58 : memref<1x16x128xf32, #tpu.memory_space<hbm>> -> memref<16x128xf32, #tpu.memory_space<hbm>>
        %dma_wait3A_60 = arith.constant 9984 : i32
        %dma_wait3A_61 = arith.constant 0 : i32
        %dma_wait3A_62 = tpu.memref_slice %arg21[%dma_wait3A_60, %dma_wait3A_61] : memref<10000x128xf32, #tpu.memory_space<vmem_shared>> -> memref<16x128xf32, #tpu.memory_space<vmem_shared>>
        tpu.wait_dma2 semaphore(%run_scoped3A : memref<!tpu.dma_semaphore, #tpu.memory_space<semaphore_mem>>) src(%dma_wait3A_62 : memref<16x128xf32, #tpu.memory_space<vmem_shared>>) dst(%dma_wait3A_59 : memref<16x128xf32, #tpu.memory_space<hbm>>)
        tpu.yield
      }) : () -> ()
    } else {
    }
    return
  }
}

#map = affine_map<(d0, d1) -> (0, 0)>
#map1 = affine_map<(d0, d1) -> (0)>
module attributes {stable_mosaic.version = 14 : i64} {
  func.func @_deg_body(%arg0: i32, %arg1: i32, %arg2: memref<2560x128xi32, #tpu.memory_space<hbm>>, %arg3: memref<327680xf32, #tpu.memory_space<hbm>>, %arg4: memref<10000xf32, #tpu.memory_space<hbm>>, %arg5: memref<2x10000xf32, #tpu.memory_space<hbm>>, %arg6: memref<80x128xi32, #tpu.memory_space<vmem>>, %arg7: memref<10240xf32, #tpu.memory_space<vmem>>, %arg8: memref<10000xf32, #tpu.memory_space<vmem_shared>>) attributes {dimension_semantics = [#tpu.dimension_semantics<core_parallel>, #tpu.dimension_semantics<subcore_parallel>], iteration_bounds = array<i64: 2, 16>, scalar_prefetch = 0 : i64, scratch_operands = 3 : i64, tpu.core_type = #tpu.core_type<sc_vector_subcore>, window_params = [{transform_indices = #map}, {transform_indices = #map1}, {transform_indices = #map1}, {transform_indices = #map}]} {
    %mul3A = arith.constant 2 : i32
    %mul3A_0 = arith.muli %arg1, %mul3A : i32
    %add3A = arith.addi %mul3A_0, %arg0 : i32
    %mul3A_1 = arith.constant 10240 : i32
    %mul3A_2 = arith.muli %add3A, %mul3A_1 : i32
    %eq3A = arith.constant 0 : i32
    %eq3A_3 = arith.cmpi eq, %arg1, %eq3A : i32
    %convert_element_type3A = arith.extui %eq3A_3 : i1 to i32
    %cond3A = arith.constant 0 : i32
    %cond3A_4 = arith.cmpi ne, %convert_element_type3A, %cond3A : i32
    scf.if %cond3A_4 {
      "tpu.region"() ({
        %run_scoped3A = tpu.sem_alloc : memref<!tpu.dma_semaphore, #tpu.memory_space<semaphore_mem>>
        tpu.enqueue_dma source(%arg4 : memref<10000xf32, #tpu.memory_space<hbm>>) target(%arg8 : memref<10000xf32, #tpu.memory_space<vmem_shared>>) target_semaphore(%run_scoped3A : memref<!tpu.dma_semaphore, #tpu.memory_space<semaphore_mem>>)
        tpu.wait_dma2 semaphore(%run_scoped3A : memref<!tpu.dma_semaphore, #tpu.memory_space<semaphore_mem>>) src(%arg4 : memref<10000xf32, #tpu.memory_space<hbm>>) dst(%arg8 : memref<10000xf32, #tpu.memory_space<vmem_shared>>)
        tpu.yield
      }) : () -> ()
    } else {
    }
    %mul3A_5 = arith.constant 80 : i32
    %mul3A_6 = arith.muli %add3A, %mul3A_5 : i32
    "tpu.region"() ({
      %run_scoped3A = tpu.sem_alloc : memref<!tpu.dma_semaphore, #tpu.memory_space<semaphore_mem>>
      %dma_start3A = arith.constant 0 : i32
      %dma_start3A_22 = tpu.memref_slice %arg2[%mul3A_6, %dma_start3A] : memref<2560x128xi32, #tpu.memory_space<hbm>> -> memref<80x128xi32, #tpu.memory_space<hbm>>
      %dma_start3A_23 = arith.constant 0 : i32
      %dma_start3A_24 = tpu.memref_slice %arg2[%mul3A_6, %dma_start3A_23] : memref<2560x128xi32, #tpu.memory_space<hbm>> -> memref<80x128xi32, #tpu.memory_space<hbm>>
      tpu.enqueue_dma source(%dma_start3A_24 : memref<80x128xi32, #tpu.memory_space<hbm>>) target(%arg6 : memref<80x128xi32, #tpu.memory_space<vmem>>) target_semaphore(%run_scoped3A : memref<!tpu.dma_semaphore, #tpu.memory_space<semaphore_mem>>)
      %dma_wait3A = arith.constant 0 : i32
      %dma_wait3A_25 = tpu.memref_slice %arg2[%mul3A_6, %dma_wait3A] : memref<2560x128xi32, #tpu.memory_space<hbm>> -> memref<80x128xi32, #tpu.memory_space<hbm>>
      %dma_wait3A_26 = arith.constant 0 : i32
      %dma_wait3A_27 = tpu.memref_slice %arg2[%mul3A_6, %dma_wait3A_26] : memref<2560x128xi32, #tpu.memory_space<hbm>> -> memref<80x128xi32, #tpu.memory_space<hbm>>
      tpu.wait_dma2 semaphore(%run_scoped3A : memref<!tpu.dma_semaphore, #tpu.memory_space<semaphore_mem>>) src(%dma_wait3A_27 : memref<80x128xi32, #tpu.memory_space<hbm>>) dst(%arg6 : memref<80x128xi32, #tpu.memory_space<vmem>>)
      tpu.yield
    }) : () -> ()
    "tpu.region"() ({
      %run_scoped3A = tpu.sem_alloc : memref<!tpu.dma_semaphore, #tpu.memory_space<semaphore_mem>>
      %dma_start3A = tpu.memref_slice %arg3[%mul3A_2] : memref<327680xf32, #tpu.memory_space<hbm>> -> memref<10240xf32, #tpu.memory_space<hbm>>
      %dma_start3A_22 = tpu.memref_slice %arg3[%mul3A_2] : memref<327680xf32, #tpu.memory_space<hbm>> -> memref<10240xf32, #tpu.memory_space<hbm>>
      tpu.enqueue_dma source(%dma_start3A_22 : memref<10240xf32, #tpu.memory_space<hbm>>) target(%arg7 : memref<10240xf32, #tpu.memory_space<vmem>>) target_semaphore(%run_scoped3A : memref<!tpu.dma_semaphore, #tpu.memory_space<semaphore_mem>>)
      %dma_wait3A = tpu.memref_slice %arg3[%mul3A_2] : memref<327680xf32, #tpu.memory_space<hbm>> -> memref<10240xf32, #tpu.memory_space<hbm>>
      %dma_wait3A_23 = tpu.memref_slice %arg3[%mul3A_2] : memref<327680xf32, #tpu.memory_space<hbm>> -> memref<10240xf32, #tpu.memory_space<hbm>>
      tpu.wait_dma2 semaphore(%run_scoped3A : memref<!tpu.dma_semaphore, #tpu.memory_space<semaphore_mem>>) src(%dma_wait3A_23 : memref<10240xf32, #tpu.memory_space<hbm>>) dst(%arg7 : memref<10240xf32, #tpu.memory_space<vmem>>)
      tpu.yield
    }) : () -> ()
    %scan3A = arith.constant 0 : i32
    %scan3A_7 = arith.constant 640 : i32
    %scan3A_8 = arith.addi %scan3A, %scan3A_7 : i32
    %scan3A_9 = arith.constant 1 : i32
    scf.for %scan3A_22 = %scan3A to %scan3A_8 step %scan3A_9  : i32 {
      %mul3A_23 = arith.constant 16 : i32
      %mul3A_24 = arith.muli %scan3A_22, %mul3A_23 : i32
      %add3A_25 = arith.constant 0 : i32
      %add3A_26 = arith.addi %add3A_25, %mul3A_24 : i32
      %get3A = arith.index_cast %add3A_26 : i32 to index
      %get3A_27 = tpu.vector_load %arg7[%get3A] {strides = array<i32>} : memref<10240xf32, #tpu.memory_space<vmem>>, vector<16xf32>,
      %abs3A = math.absf %get3A_27 : vector<16xf32>
      %swap3A = arith.index_cast %add3A_26 : i32 to index
      %swap3A_28 = tpu.vector_load %arg7[%swap3A] {strides = array<i32>} : memref<10240xf32, #tpu.memory_space<vmem>>, vector<16xf32>,
      tpu.vector_store %arg7[%swap3A], %abs3A {strides = array<i32>} : memref<10240xf32, #tpu.memory_space<vmem>>, vector<16xf32>,
    }
    %scan3A_10 = arith.constant 640 : i32
    %barrier3A = arith.constant 0 : index
    tpu.barrier barrier_id(%barrier3A)
    %scan3A_11 = arith.constant 0 : i32
    %scan3A_12 = arith.constant 80 : i32
    %scan3A_13 = arith.addi %scan3A_11, %scan3A_12 : i32
    %scan3A_14 = arith.constant 1 : i32
    scf.for %scan3A_22 = %scan3A_11 to %scan3A_13 step %scan3A_14  : i32 {
      %mul3A_23 = arith.constant 1 : i32
      %mul3A_24 = arith.muli %scan3A_22, %mul3A_23 : i32
      %add3A_25 = arith.constant 0 : i32
      %add3A_26 = arith.addi %add3A_25, %mul3A_24 : i32
      %mul3A_27 = arith.constant 128 : i32
      %mul3A_28 = arith.muli %add3A_26, %mul3A_27 : i32
      "tpu.region"() ({
        %run_scoped3A = tpu.sem_alloc : memref<!tpu.dma_semaphore, #tpu.memory_space<semaphore_mem>>
        %dma_start3A = tpu.memref_slice %arg7[%mul3A_28] : memref<10240xf32, #tpu.memory_space<vmem>> -> memref<128xf32, #tpu.memory_space<vmem>>
        %dma_start3A_29 = arith.constant 0 : i32
        %dma_start3A_30 = tpu.memref_slice %arg6[%add3A_26, %dma_start3A_29] : memref<80x128xi32, #tpu.memory_space<vmem>> -> memref<1x128xi32, #tpu.memory_space<vmem>>
        %dma_start3A_31 = tpu.memref_squeeze %dma_start3A_30 : memref<1x128xi32, #tpu.memory_space<vmem>> -> memref<128xi32, #tpu.memory_space<vmem>>
        %dma_start3A_32 = arith.constant 0 : i32
        %dma_start3A_33 = tpu.memref_slice %arg8[%dma_start3A_32] : memref<10000xf32, #tpu.memory_space<vmem_shared>> -> memref<10000xf32, #tpu.memory_space<vmem_shared>>
        tpu.enqueue_indirect_dma source(%dma_start3A : memref<128xf32, #tpu.memory_space<vmem>>) target(%dma_start3A_33 : memref<10000xf32, #tpu.memory_space<vmem_shared>>) offsets(%dma_start3A_31 : memref<128xi32, #tpu.memory_space<vmem>>) semaphore(%run_scoped3A : memref<!tpu.dma_semaphore, #tpu.memory_space<semaphore_mem>>) {add = true}
        %dma_wait3A = tpu.memref_slice %arg7[%mul3A_28] : memref<10240xf32, #tpu.memory_space<vmem>> -> memref<128xf32, #tpu.memory_space<vmem>>
        %dma_wait3A_34 = arith.constant 0 : i32
        %dma_wait3A_35 = tpu.memref_slice %arg6[%add3A_26, %dma_wait3A_34] : memref<80x128xi32, #tpu.memory_space<vmem>> -> memref<1x128xi32, #tpu.memory_space<vmem>>
        %dma_wait3A_36 = tpu.memref_squeeze %dma_wait3A_35 : memref<1x128xi32, #tpu.memory_space<vmem>> -> memref<128xi32, #tpu.memory_space<vmem>>
        %dma_wait3A_37 = arith.constant 0 : i32
        %dma_wait3A_38 = tpu.memref_slice %arg8[%dma_wait3A_37] : memref<10000xf32, #tpu.memory_space<vmem_shared>> -> memref<10000xf32, #tpu.memory_space<vmem_shared>>
        tpu.wait_indirect_dma semaphore(%run_scoped3A : memref<!tpu.dma_semaphore, #tpu.memory_space<semaphore_mem>>) src(%dma_wait3A : memref<128xf32, #tpu.memory_space<vmem>>) dst(%dma_wait3A_38 : memref<10000xf32, #tpu.memory_space<vmem_shared>>)
        tpu.yield
      }) : () -> ()
    }
    %scan3A_15 = arith.constant 80 : i32
    %barrier3A_16 = arith.constant 0 : index
    tpu.barrier barrier_id(%barrier3A_16)
    %eq3A_17 = arith.constant 0 : i32
    %eq3A_18 = arith.cmpi eq, %arg1, %eq3A_17 : i32
    %convert_element_type3A_19 = arith.extui %eq3A_18 : i1 to i32
    %cond3A_20 = arith.constant 0 : i32
    %cond3A_21 = arith.cmpi ne, %convert_element_type3A_19, %cond3A_20 : i32
    scf.if %cond3A_21 {
      "tpu.region"() ({
        %run_scoped3A = tpu.sem_alloc : memref<!tpu.dma_semaphore, #tpu.memory_space<semaphore_mem>>
        %dma_start3A = arith.constant 0 : i32
        %dma_start3A_22 = tpu.memref_slice %arg5[%arg0, %dma_start3A] : memref<2x10000xf32, #tpu.memory_space<hbm>> -> memref<1x10000xf32, #tpu.memory_space<hbm>>
        %dma_start3A_23 = tpu.memref_squeeze %dma_start3A_22 : memref<1x10000xf32, #tpu.memory_space<hbm>> -> memref<10000xf32, #tpu.memory_space<hbm>>
        tpu.enqueue_dma source(%arg8 : memref<10000xf32, #tpu.memory_space<vmem_shared>>) target(%dma_start3A_23 : memref<10000xf32, #tpu.memory_space<hbm>>) target_semaphore(%run_scoped3A : memref<!tpu.dma_semaphore, #tpu.memory_space<semaphore_mem>>)
        %dma_wait3A = arith.constant 0 : i32
        %dma_wait3A_24 = tpu.memref_slice %arg5[%arg0, %dma_wait3A] : memref<2x10000xf32, #tpu.memory_space<hbm>> -> memref<1x10000xf32, #tpu.memory_space<hbm>>
        %dma_wait3A_25 = tpu.memref_squeeze %dma_wait3A_24 : memref<1x10000xf32, #tpu.memory_space<hbm>> -> memref<10000xf32, #tpu.memory_space<hbm>>
        tpu.wait_dma2 semaphore(%run_scoped3A : memref<!tpu.dma_semaphore, #tpu.memory_space<semaphore_mem>>) src(%arg8 : memref<10000xf32, #tpu.memory_space<vmem_shared>>) dst(%dma_wait3A_25 : memref<10000xf32, #tpu.memory_space<hbm>>)
        tpu.yield
      }) : () -> ()
    } else {
    }
    return
  }
}

module attributes {stable_mosaic.version = 14 : i64} {
  func.func @_y_body(%arg0: i32, %arg1: memref<400x128xf32, #tpu.memory_space<vmem>>, %arg2: memref<128x128xf32, #tpu.memory_space<vmem>>, %arg3: memref<400x1xf32, #tpu.memory_space<vmem>>, %arg4: memref<400x1xf32, #tpu.memory_space<vmem>>, %arg5: memref<400x128xf32, #tpu.memory_space<vmem>>, %arg6: memref<400x1xf32, #tpu.memory_space<vmem>>) attributes {dimension_semantics = [#tpu.dimension_semantics<arbitrary>], iteration_bounds = array<i64: 25>, scalar_prefetch = 0 : i64, scratch_operands = 0 : i64, tpu.core_type = #tpu.core_type<tc>, window_params = [{transform_indices = @transform_0, window_bounds = array<i64: 400, 128>}, {pipeline_mode = #tpu.pipeline_mode<synchronous>, transform_indices = @transform_1, window_bounds = array<i64: 128, 128>}, {transform_indices = @transform_2, window_bounds = array<i64: 400, 1>}, {transform_indices = @transform_3, window_bounds = array<i64: 400, 1>}, {transform_indices = @transform_4, window_bounds = array<i64: 400, 128>}, {transform_indices = @transform_5, window_bounds = array<i64: 400, 1>}]} {
    %get3A = arith.constant 0 : index
    %get3A_0 = arith.constant 0 : index
    %get3A_1 = vector.load %arg1[%get3A, %get3A_0] : memref<400x128xf32, #tpu.memory_space<vmem>>, vector<400x128xf32>
    %get3A_2 = arith.constant 0 : index
    %get3A_3 = arith.constant 0 : index
    %get3A_4 = vector.load %arg2[%get3A_2, %get3A_3] : memref<128x128xf32, #tpu.memory_space<vmem>>, vector<128x128xf32>
    %dot_general3A = arith.constant dense<0.000000e+00> : vector<400x128xf32>
    %dot_general3A_5 = tpu.matmul %get3A_1, %get3A_4, %dot_general3A {dimension_numbers = #tpu.dot_dimension_numbers<[1], [1], [0], [0], [0, 0, 1, 0], [], []>, transpose_lhs_hint = false} : vector<400x128xf32>, vector<128x128xf32>, vector<400x128xf32> -> vector<400x128xf32>
    %get3A_6 = arith.constant 0 : index
    %get3A_7 = arith.constant 0 : index
    %get3A_8 = vector.load %arg3[%get3A_6, %get3A_7] : memref<400x1xf32, #tpu.memory_space<vmem>>, vector<400x1xf32>
    %get3A_9 = arith.constant 0 : index
    %get3A_10 = arith.constant 0 : index
    %get3A_11 = vector.load %arg4[%get3A_9, %get3A_10] : memref<400x1xf32, #tpu.memory_space<vmem>>, vector<400x1xf32>
    %add3A = arith.addf %get3A_8, %get3A_11 : vector<400x1xf32>
    %add3A_12 = arith.constant 1.000000e+00 : f32
    %add3A_13 = vector.broadcast %add3A_12 : f32 to vector<400x1xf32>
    %add3A_14 = arith.addf %add3A, %add3A_13 : vector<400x1xf32>
    %rsqrt3A = math.rsqrt %add3A_14 : vector<400x1xf32>
    %swap3A = arith.constant 0 : index
    %swap3A_15 = arith.constant 0 : index
    %swap3A_16 = vector.load %arg6[%swap3A, %swap3A_15] : memref<400x1xf32, #tpu.memory_space<vmem>>, vector<400x1xf32>
    tpu.vector_store %arg6[%swap3A, %swap3A_15], %rsqrt3A {strides = array<i32>} : memref<400x1xf32, #tpu.memory_space<vmem>>, vector<400x1xf32>,
    %mul3A = vector.broadcast %rsqrt3A : vector<400x1xf32> to vector<400x128xf32>
    %mul3A_17 = arith.mulf %dot_general3A_5, %mul3A : vector<400x128xf32>
    %swap3A_18 = arith.constant 0 : index
    %swap3A_19 = arith.constant 0 : index
    %swap3A_20 = vector.load %arg5[%swap3A_18, %swap3A_19] : memref<400x128xf32, #tpu.memory_space<vmem>>, vector<400x128xf32>
    tpu.vector_store %arg5[%swap3A_18, %swap3A_19], %mul3A_17 {strides = array<i32>} : memref<400x128xf32, #tpu.memory_space<vmem>>, vector<400x128xf32>,
    return
  }
  func.func @transform_0(%arg0: i32) -> (i32, i32) {
    %c0_i32 = arith.constant 0 : i32
    %c0_i32_0 = arith.constant 0 : i32
    return %arg0, %c0_i32 : i32, i32
  }
  func.func @transform_1(%arg0: i32) -> (i32, i32) {
    %c0_i32 = arith.constant 0 : i32
    %c0_i32_0 = arith.constant 0 : i32
    %c0_i32_1 = arith.constant 0 : i32
    return %c0_i32, %c0_i32_0 : i32, i32
  }
  func.func @transform_2(%arg0: i32) -> (i32, i32) {
    %c0_i32 = arith.constant 0 : i32
    %c0_i32_0 = arith.constant 0 : i32
    return %arg0, %c0_i32 : i32, i32
  }
  func.func @transform_3(%arg0: i32) -> (i32, i32) {
    %c0_i32 = arith.constant 0 : i32
    %c0_i32_0 = arith.constant 0 : i32
    return %arg0, %c0_i32 : i32, i32
  }
  func.func @transform_4(%arg0: i32) -> (i32, i32) {
    %c0_i32 = arith.constant 0 : i32
    %c0_i32_0 = arith.constant 0 : i32
    return %arg0, %c0_i32 : i32, i32
  }
  func.func @transform_5(%arg0: i32) -> (i32, i32) {
    %c0_i32 = arith.constant 0 : i32
    %c0_i32_0 = arith.constant 0 : i32
    return %arg0, %c0_i32 : i32, i32
  }
}

module attributes {stable_mosaic.version = 14 : i64} {
  func.func @_post_body(%arg0: i32, %arg1: memref<2x400x128xf32, #tpu.memory_space<vmem>>, %arg2: memref<400x128xf32, #tpu.memory_space<vmem>>, %arg3: memref<400x1xf32, #tpu.memory_space<vmem>>, %arg4: memref<1x128xf32, #tpu.memory_space<vmem>>, %arg5: memref<1x128xf32, #tpu.memory_space<vmem>>, %arg6: memref<1x128xf32, #tpu.memory_space<vmem>>, %arg7: memref<400x128xf32, #tpu.memory_space<vmem>>) attributes {dimension_semantics = [#tpu.dimension_semantics<arbitrary>], iteration_bounds = array<i64: 25>, scalar_prefetch = 0 : i64, scratch_operands = 0 : i64, tpu.core_type = #tpu.core_type<tc>, window_params = [{transform_indices = @transform_0, window_bounds = array<i64: 2, 400, 128>}, {transform_indices = @transform_1, window_bounds = array<i64: 400, 128>}, {transform_indices = @transform_2, window_bounds = array<i64: 400, 1>}, {pipeline_mode = #tpu.pipeline_mode<synchronous>, transform_indices = @transform_3, window_bounds = array<i64: 1, 128>}, {pipeline_mode = #tpu.pipeline_mode<synchronous>, transform_indices = @transform_4, window_bounds = array<i64: 1, 128>}, {pipeline_mode = #tpu.pipeline_mode<synchronous>, transform_indices = @transform_5, window_bounds = array<i64: 1, 128>}, {transform_indices = @transform_6, window_bounds = array<i64: 400, 128>}]} {
    %get3A = arith.constant 0 : index
    %get3A_0 = arith.constant 0 : index
    %get3A_1 = vector.load %arg3[%get3A, %get3A_0] : memref<400x1xf32, #tpu.memory_space<vmem>>, vector<400x1xf32>
    %get3A_2 = arith.constant 0 : index
    %get3A_3 = arith.constant 0 : index
    %get3A_4 = arith.constant 0 : index
    %get3A_5 = vector.load %arg1[%get3A_2, %get3A_3, %get3A_4] : memref<2x400x128xf32, #tpu.memory_space<vmem>>, vector<1x400x128xf32>
    %get3A_6 = vector.shape_cast %get3A_5 : vector<1x400x128xf32> to vector<400x128xf32>
    %get3A_7 = arith.constant 1 : index
    %get3A_8 = arith.constant 0 : index
    %get3A_9 = arith.constant 0 : index
    %get3A_10 = vector.load %arg1[%get3A_7, %get3A_8, %get3A_9] : memref<2x400x128xf32, #tpu.memory_space<vmem>>, vector<1x400x128xf32>
    %get3A_11 = vector.shape_cast %get3A_10 : vector<1x400x128xf32> to vector<400x128xf32>
    %add3A = arith.addf %get3A_6, %get3A_11 : vector<400x128xf32>
    %get3A_12 = arith.constant 0 : index
    %get3A_13 = arith.constant 0 : index
    %get3A_14 = vector.load %arg2[%get3A_12, %get3A_13] : memref<400x128xf32, #tpu.memory_space<vmem>>, vector<400x128xf32>
    %add3A_15 = arith.addf %add3A, %get3A_14 : vector<400x128xf32>
    %mul3A = vector.broadcast %get3A_1 : vector<400x1xf32> to vector<400x128xf32>
    %mul3A_16 = arith.mulf %mul3A, %add3A_15 : vector<400x128xf32>
    %get3A_17 = arith.constant 0 : index
    %get3A_18 = arith.constant 0 : index
    %get3A_19 = vector.load %arg4[%get3A_17, %get3A_18] : memref<1x128xf32, #tpu.memory_space<vmem>>, vector<1x128xf32>
    %add3A_20 = vector.broadcast %get3A_19 : vector<1x128xf32> to vector<400x128xf32>
    %add3A_21 = arith.addf %mul3A_16, %add3A_20 : vector<400x128xf32>
    %ge3A = arith.constant 0.000000e+00 : f32
    %ge3A_22 = vector.broadcast %ge3A : f32 to vector<400x128xf32>
    %ge3A_23 = arith.cmpf oge, %add3A_21, %ge3A_22 : vector<400x128xf32>
    %mul3A_24 = arith.constant 0.00999999977 : f32
    %mul3A_25 = vector.broadcast %mul3A_24 : f32 to vector<400x128xf32>
    %mul3A_26 = arith.mulf %mul3A_25, %add3A_21 : vector<400x128xf32>
    %select_n3A = arith.select %ge3A_23, %add3A_21, %mul3A_26 : vector<400x128xi1>, vector<400x128xf32>
    %reduce_sum3A = arith.constant dense<0.000000e+00> : vector<400xf32>
    %reduce_sum3A_27 = vector.multi_reduction <add>, %select_n3A, %reduce_sum3A [1] : vector<400x128xf32> to vector<400xf32>
    %broadcast_in_dim3A = vector.shape_cast %reduce_sum3A_27 : vector<400xf32> to vector<400x1xf32>
    %div3A = arith.constant 1.280000e+02 : f32
    %div3A_28 = vector.broadcast %div3A : f32 to vector<400x1xf32>
    %div3A_29 = arith.divf %broadcast_in_dim3A, %div3A_28 : vector<400x1xf32>
    %sub3A = vector.broadcast %div3A_29 : vector<400x1xf32> to vector<400x128xf32>
    %sub3A_30 = arith.subf %select_n3A, %sub3A : vector<400x128xf32>
    %mul3A_31 = arith.mulf %sub3A_30, %sub3A_30 : vector<400x128xf32>
    %reduce_sum3A_32 = arith.constant dense<0.000000e+00> : vector<400xf32>
    %reduce_sum3A_33 = vector.multi_reduction <add>, %mul3A_31, %reduce_sum3A_32 [1] : vector<400x128xf32> to vector<400xf32>
    %broadcast_in_dim3A_34 = vector.shape_cast %reduce_sum3A_33 : vector<400xf32> to vector<400x1xf32>
    %div3A_35 = arith.constant 1.280000e+02 : f32
    %div3A_36 = vector.broadcast %div3A_35 : f32 to vector<400x1xf32>
    %div3A_37 = arith.divf %broadcast_in_dim3A_34, %div3A_36 : vector<400x1xf32>
    %add3A_38 = arith.constant 9.99999974E-6 : f32
    %add3A_39 = vector.broadcast %add3A_38 : f32 to vector<400x1xf32>
    %add3A_40 = arith.addf %div3A_37, %add3A_39 : vector<400x1xf32>
    %rsqrt3A = math.rsqrt %add3A_40 : vector<400x1xf32>
    %mul3A_41 = vector.broadcast %rsqrt3A : vector<400x1xf32> to vector<400x128xf32>
    %mul3A_42 = arith.mulf %sub3A_30, %mul3A_41 : vector<400x128xf32>
    %get3A_43 = arith.constant 0 : index
    %get3A_44 = arith.constant 0 : index
    %get3A_45 = vector.load %arg5[%get3A_43, %get3A_44] : memref<1x128xf32, #tpu.memory_space<vmem>>, vector<1x128xf32>
    %mul3A_46 = vector.broadcast %get3A_45 : vector<1x128xf32> to vector<400x128xf32>
    %mul3A_47 = arith.mulf %mul3A_42, %mul3A_46 : vector<400x128xf32>
    %get3A_48 = arith.constant 0 : index
    %get3A_49 = arith.constant 0 : index
    %get3A_50 = vector.load %arg6[%get3A_48, %get3A_49] : memref<1x128xf32, #tpu.memory_space<vmem>>, vector<1x128xf32>
    %add3A_51 = vector.broadcast %get3A_50 : vector<1x128xf32> to vector<400x128xf32>
    %add3A_52 = arith.addf %mul3A_47, %add3A_51 : vector<400x128xf32>
    %swap3A = arith.constant 0 : index
    %swap3A_53 = arith.constant 0 : index
    %swap3A_54 = vector.load %arg7[%swap3A, %swap3A_53] : memref<400x128xf32, #tpu.memory_space<vmem>>, vector<400x128xf32>
    tpu.vector_store %arg7[%swap3A, %swap3A_53], %add3A_52 {strides = array<i32>} : memref<400x128xf32, #tpu.memory_space<vmem>>, vector<400x128xf32>,
    return
  }
  func.func @transform_0(%arg0: i32) -> (i32, i32, i32) {
    %c0_i32 = arith.constant 0 : i32
    %c0_i32_0 = arith.constant 0 : i32
    %c0_i32_1 = arith.constant 0 : i32
    return %c0_i32, %arg0, %c0_i32_0 : i32, i32, i32
  }
  func.func @transform_1(%arg0: i32) -> (i32, i32) {
    %c0_i32 = arith.constant 0 : i32
    %c0_i32_0 = arith.constant 0 : i32
    return %arg0, %c0_i32 : i32, i32
  }
  func.func @transform_2(%arg0: i32) -> (i32, i32) {
    %c0_i32 = arith.constant 0 : i32
    %c0_i32_0 = arith.constant 0 : i32
    return %arg0, %c0_i32 : i32, i32
  }
  func.func @transform_3(%arg0: i32) -> (i32, i32) {
    %c0_i32 = arith.constant 0 : i32
    %c0_i32_0 = arith.constant 0 : i32
    %c0_i32_1 = arith.constant 0 : i32
    return %c0_i32, %c0_i32_0 : i32, i32
  }
  func.func @transform_4(%arg0: i32) -> (i32, i32) {
    %c0_i32 = arith.constant 0 : i32
    %c0_i32_0 = arith.constant 0 : i32
    %c0_i32_1 = arith.constant 0 : i32
    return %c0_i32, %c0_i32_0 : i32, i32
  }
  func.func @transform_5(%arg0: i32) -> (i32, i32) {
    %c0_i32 = arith.constant 0 : i32
    %c0_i32_0 = arith.constant 0 : i32
    %c0_i32_1 = arith.constant 0 : i32
    return %c0_i32, %c0_i32_0 : i32, i32
  }
  func.func @transform_6(%arg0: i32) -> (i32, i32) {
    %c0_i32 = arith.constant 0 : i32
    %c0_i32_0 = arith.constant 0 : i32
    return %arg0, %c0_i32 : i32, i32
  }
}

</mosaic_0001>

<sc_bundles>
// kernel: kernel.6.cloned.1.call-start
scs
__scs_entry_jumppad:
0x0: {  	(pc) =	sbr.rel $0x88, $3  }
0x1: {  	(tag) =	ssettag $0x0;
	lr =	simm.s32 $0x1  }
0x2: {  	[smem:$0x3F9A] =	sst lr;
	_ =	strace $0xD0000000  }
0x3: {  	_ = 	snop  }
0x4: {  	_ = 	snop  }
0x5: {  	_ = 	snop  }
0x6: {  	_ = 	snop  }
0x7: {  	_ = 	snop  }
__scs_overlays_trampoline_lowered:
0x8: {  	[smem:$0x3FA9] =	sst s0  }
0x9: {  	[smem:$0x3FAA] =	sst s1  }
0xa: {  	[smem:$0x3FAB] =	sst s2  }
0xb: {  	[smem:$0x3FAC] =	sst s3  }
0xc: {  	[smem:$0x3FAD] =	sst s4  }
0xd: {  	[smem:$0x3FAE] =	sst s5  }
0xe: {  	[smem:$0x3FAF] =	sst s6  }
0xf: {  	[smem:$0x3FB0] =	sst s7  }
0x10: {  	[smem:$0x3FB1] =	sst s8  }
0x11: {  	[smem:$0x3FB2] =	sst s9;
	s0 =	simm.s32 @!p0 $0x0  }
0x12: {  	s1 =	sld [smem:$0x3F98];
	s0 =	simm.s32 @p0 $0x1  }
0x13: {  	[smem:$0x3FB3] =	sst s0;
	s0 =	simm.s32 @!p1 $0x0  }
0x14: {  	s2 =	sld [smem:$0x3F97];
	s0 =	simm.s32 @p1 $0x1  }
0x15: {  	[smem:$0x3FB4] =	sst s0;
	s0 =	simm.s32 @!p2 $0x0  }
0x16: {  	s3 =	sld [smem:$0x3FDB];
	s0 =	simm.s32 @p2 $0x1  }
0x17: {  	s4 =	simm.s32 $0x1BF5;
	[smem:$0x3FB6] =	sst s0  }
0x18: {  	s0 =	sld [smem:$0x3F99];
	_ =	swait.ge [sflag:s4], $0x0  }
0x19: {  	s7 =	sld [smem:$0x3F9A]  }
0x1a: {  	s8 =	sadd.s32 $0xFFFFE003, lr  }
0x1b: {  	s9 =	sadd.s32 $0xFFFFFEF7, lr;
	s5 =	simm.s32 $0xFFFFFFFF;
	p2 =	slt.u32 s8, $0xFFFFF086  }
0x1c: {  	p1 =	slt.u32 s9, $0xF7A;
	s5 =	simm.s32 @!p2 $0x0  }
0x1d: {  	s5 =	simm.s32 @p1 $0x1;
	p0 =	seq.s32 s7, s2  }
0x1e: {  	s7 =	smul.u32 @!p0 $0xF7A, s2;
	p2 =	seq.s32 @!p0 s5, $0x0  }
0x1f: {  	s9 =	smul.u32 $0xF7A, s1;
	s8 =	simm.s32 @!p0 $0x1BF5;
	p2 =	por !p2, p0  }
0x20: {  	[sflag:s8] =	ssyncset.s32 @!p0 $0xFFFFF086;
	s6 =	sadd.s32 @!p0 s3, s7;
	s7 =	simm.s32 @!p0 $0x108  }
0x21: {  	s3 =	sadd.s32 s3, s9;
	s6 =	sadd.s32 @!p0 $0x88, s6;
	s7 =	simm.s32 @p2 $0x1082  }
0x22: {  	[simem:s7], [sflag:s8] =	dma.local @!p0 [hbm:s6], $0xF7A  }
0x23: {  	s9 =	sor.u32 $0xD0000000, s2;
	s6 =	simm.s32 $0x108;
	_ =	swait.ge @!p0 [sflag:s8], $0x0  }
0x24: {  	s3 =	sadd.s32 $0x88, s3;
	s6 =	simm.s32 @!p1 $0x1082;
	[sflag:s4] =	ssyncset.s32 $0xFFFFF086  }
0x25: {  	[simem:s6], [sflag:s4] =	dma.local [hbm:s3], $0xF7A  }
0x26: {  	[smem:$0x3F9A] =	sst s1;
	(tag) =	ssettag s2;
	_ =	strace s9  }
0x27: {  	s1 =	sld [smem:$0x3FAA]  }
0x28: {  	s2 =	sld [smem:$0x3FAB]  }
0x29: {  	s4 =	sld [smem:$0x3FAD]  }
0x2a: {  	p0 =	seq.s32 s5, $0x0;
	s5 =	sld [smem:$0x3FAE]  }
0x2b: {  	s6 =	sld [smem:$0x3FAF]  }
0x2c: {  	s7 =	sld [smem:$0x3FB0]  }
0x2d: {  	s3 =	simm.s32 $0x108;
	s8 =	sld [smem:$0x3FB1]  }
0x2e: {  	s3 =	simm.s32 @!p0 $0x1082;
	s9 =	sld [smem:$0x3FB2]  }
0x2f: {  	lr =	sadd.s32 s0, s3;
	s0 =	sld [smem:$0x3FA9]  }
0x30: {  	s3 =	sld [smem:$0x3FAC]  }
0x31: {  	[smem:$0x3FB5] =	sst s10  }
0x32: {  	s10 =	sld [smem:$0x3FB3];
	_ =	sdelay $0x3  }
0x33: {  	p0 =	seq.s32 s10, $0x1;
	s10 =	sld [smem:$0x3FB5];
	_ =	sdelay $0x3  }
0x34: {  	[smem:$0x3FB5] =	sst s10  }
0x35: {  	s10 =	sld [smem:$0x3FB4];
	_ =	sdelay $0x3  }
0x36: {  	p1 =	seq.s32 s10, $0x1;
	s10 =	sld [smem:$0x3FB5];
	_ =	sdelay $0x3  }
0x37: {  	[smem:$0x3FB5] =	sst s10  }
0x38: {  	s10 =	sld [smem:$0x3FB6]  }
0x39: {  	_ = 	snop;
	(pc) =	sbr.ind lr, $3  }
0x3a: {  	_ = 	snop  }
0x3b: {  	_ = 	snop  }
0x3c: {  	p2 =	seq.s32 s10, $0x1;
	s10 =	sld [smem:$0x3FB5]  }
0x3d: {  	_ =	shalt  }
0x3e: {  	_ =	shalt  }
0x3f: {  	_ =	shalt  }
0x40: {  	_ =	shalt  }
0x41: {  	_ =	shalt  }
0x42: {  	_ =	shalt  }
0x43: {  	_ =	shalt  }
0x44: {  	_ =	shalt  }
0x45: {  	_ =	shalt  }
0x46: {  	_ =	shalt  }
0x47: {  	_ =	shalt  }
0x48: {  	_ =	shalt  }
0x49: {  	_ =	shalt  }
0x4a: {  	_ =	shalt  }
0x4b: {  	_ =	shalt  }
0x4c: {  	_ =	shalt  }
0x4d: {  	_ =	shalt  }
0x4e: {  	_ =	shalt  }
0x4f: {  	_ =	shalt  }
0x50: {  	_ =	shalt  }
0x51: {  	_ =	shalt  }
0x52: {  	_ =	shalt  }
0x53: {  	_ =	shalt  }
0x54: {  	_ =	shalt  }
0x55: {  	_ =	shalt  }
0x56: {  	_ =	shalt  }
0x57: {  	_ =	shalt  }
0x58: {  	_ =	shalt  }
0x59: {  	_ =	shalt  }
0x5a: {  	_ =	shalt  }
0x5b: {  	_ =	shalt  }
0x5c: {  	_ =	shalt  }
0x5d: {  	_ =	shalt  }
0x5e: {  	_ =	shalt  }
0x5f: {  	_ =	shalt  }
0x60: {  	_ =	shalt  }
0x61: {  	_ =	shalt  }
0x62: {  	_ =	shalt  }
0x63: {  	_ =	shalt  }
0x64: {  	_ =	shalt  }
0x65: {  	_ =	shalt  }
0x66: {  	_ =	shalt  }
0x67: {  	_ =	shalt  }
0x68: {  	_ =	shalt  }
0x69: {  	_ =	shalt  }
0x6a: {  	_ =	shalt  }
0x6b: {  	_ =	shalt  }
0x6c: {  	_ =	shalt  }
0x6d: {  	_ =	shalt  }
0x6e: {  	_ =	shalt  }
0x6f: {  	_ =	shalt  }
0x70: {  	_ =	shalt  }
0x71: {  	_ =	shalt  }
0x72: {  	_ =	shalt  }
0x73: {  	_ =	shalt  }
0x74: {  	_ =	shalt  }
0x75: {  	_ =	shalt  }
0x76: {  	_ =	shalt  }
0x77: {  	_ =	shalt  }
0x78: {  	_ =	shalt  }
0x79: {  	_ =	shalt  }
0x7a: {  	_ =	shalt  }
0x7b: {  	_ =	shalt  }
0x7c: {  	_ =	shalt  }
0x7d: {  	_ =	shalt  }
0x7e: {  	_ =	shalt  }
0x7f: {  	_ =	shalt  }
0x80: {  	_ =	shalt  }
0x81: {  	_ =	shalt  }
0x82: {  	_ =	shalt  }
0x83: {  	_ =	shalt  }
0x84: {  	_ =	shalt  }
0x85: {  	_ =	shalt  }
0x86: {  	_ =	shalt  }
0x87: {  	_ =	shalt  }
.Lfunc_end0:
.L_simem_size_0:
called_computation_lowered:
.L_overlay_start_0:
0x88: {  	s2 =	sld [smem:$0x3FD9]  }
0x89: {  	s3 =	sld [smem:$0x3FFE];
	_ =	sdelay $0x1  }
0x8a: {  	s1 =	srdreg.scid  }
0x8b: {  	s0 =	sand.u32 $0x1, s1  }
0x8c: {  	s17 =	sshll.u32 s0, $0xA;
	s2 =	sadd.s32 s3, s2  }
0x8d: {  	s2 =	sadd.s32 s2, s17  }
0x8e: {  	[smem:$0x3FC1] =	sst s2  }
0x8f: {  	_ = 	snop  }
0x90: {  	s2 =	sld [smem:$0x3FD0];
	(tm) =	ssettm $0x1  }
0x91: {  	s18 =	sld [smem:$0x3FFB];
	_ =	sdelay $0x3  }
0x92: {  	_ =	strace s18  }
0x93: {  	s3 =	sld [smem:$0x3FFC];
	_ =	sdelay $0x3  }
0x94: {  	_ =	strace s3  }
0x95: {  	s3 =	sld [smem:$0x3FFD];
	_ =	sdelay $0x3  }
0x96: {  	_ =	strace s3  }
0x97: {  	_ =	strace $0x8FFFFFFF  }
0x98: {  	s19 =	sld [smem:$0x3FDB];
	_ =	sdelay $0x1  }
0x99: {  	s4 =	simm.s32 $_scs_section_size  }
0x9a: {  	s5 =	simm.s32 $_size__tile_overlayer_lowered;
	s6 =	simm.s32 $_tile_overlayer_lowered  }
0x9b: {  	s22 =	simm.s32 $0x1BFF;
	s21 =	sshll.u32 s6, $0x1;
	s3 =	sadd.s32 s4, s19  }
0x9c: {  	s7 =	simm.s32 $0x0;
	s20 =	sshll.u32 s5, $0x1;
	s5 =	sadd.s32 s21, s3  }
0x9d: {  	[timem:s7], [sflag:s22] =	dma.local [hbm:s5], s20  }
0x9e: {  	_ =	swait.ge [sflag:s22], s20  }
0x9f: {  	s4 =	ssub.s32 $0x0, s20;
	[sflag:s22] =	ssyncset.done $0x0  }
0xa0: {  	[sflag:s22] =	ssyncadd.s32 s4;
	_ =	sdelay $0x1  }
0xa1: {  	s23 =	simm.s32 $0x1B8B  }
0xa2: {  	_ =	swait.ge [sflag:s23], $0x1  }
0xa3: {  	[sflag:s23] =	ssyncset.done $0x0  }
0xa4: {  	s25 =	simm.s32 $0x1B8E;
	s24 =	sld [smem:$0x3FFE];
	[sflag:s23] =	ssyncadd.s32 $0xFFFFFFFF  }
0xa5: {  	s26 =	simm.s32 $execute0_lowered;
	[smem:$0x3FD2] =	sst s25  }
0xa6: {  	s5 =	sshll.u32 s26, $0x1;
	_ =	strace $0x80000046;
	[dreg:$0x1] =	wrdreg $0xFFFFFFFF  }
0xa7: {  	s28 =	simm.s32 $_size_execute0_lowered;
	s3 =	sadd.s32 s3, s5;
	[dreg:$0x0] =	wrdreg $0x0  }
0xa8: {  	s5 =	sshll.u32 s28, $0x1;
	[dreg:$0x2] =	wrdreg s3  }
0xa9: {  	[dreg:$0x3] =	wrdreg s5  }
0xaa: {  	[dreg:$0x4] =	wrdreg $0xC0  }
0xab: {  	_ =	task [dreg:s7], $0x5FFFF  }
0xac: {  	[dreg:$0x1] =	wrdreg $0xFFFFFFFF  }
0xad: {  	[dreg:$0x0] =	wrdreg $0x60  }
0xae: {  	[dreg:$0x2] =	wrdreg s24  }
0xaf: {  	[dreg:$0x3] =	wrdreg s2  }
0xb0: {  	[dreg:$0x4] =	wrdreg $0x50000  }
0xb1: {  	[dreg:$0x5] =	wrdreg $0x9  }
0xb2: {  	_ =	task.clear_ibuf [dreg:s7], $0x6FFFF;
	_ =	strace $0x90000046  }
0xb3: {  	s29 =	simm.s32 $0x9;
	_ =	strace $0x80000048  }
0xb4: {  	_ =	swait.ge [sflag:s29], $0x1  }
0xb5: {  	[sflag:s29] =	ssyncadd.s32 $0xFFFFFFFF  }
0xb6: {  	_ =	strace $0x90000048  }
0xb7: {  	_ =	sfence  }
0xb8: {  	s30 =	sld [smem:$0x0];
	_ =	sdelay $0x2  }
0xb9: {  	s31 =	sshll.u32 s1, $0xD;
	s1 =	sshrl.u32 s1, $0x2  }
0xba: {  	s3 =	sand.u32 $0x4000, s31;
	s1 =	sadd.s32 s1, s30  }
0xbb: {  	s0 =	sor.u32 s3, s0;
	s1 =	sshll.u32 s1, $0x11  }
0xbc: {  	s0 =	sor.u32 s1, s0  }
0xbd: {  	s0 =	sadd.s32 $0x8F2B, s0  }
0xbe: {  	[sflag:s0] =	ssyncadd.remote.s32 $0x1  }
0xbf: {  	_ =	sfence.sel $0xFFFF  }
0xc0: {  	[dreg:$0x0] =	wrdreg $0xFFFFFFFF;
	(pc) =	sbr.abs _section_cstart, $3  }
0xc1: {  	[dreg:$0x1] =	wrdreg $0xFFFFFFFF  }
0xc2: {  	_ =	task.clear_ibuf [dreg:s7], $0x2FFFF;
	_ =	strace $0x9FFFFFFF  }
0xc3: {  	(tm) =	ssettm $0x7FFFFFFF  }
tec
execute0_lowered:
.L_overlay_start_1:
0x0: {  	(tag) =	ssettag $0x1  }
0x1: {  	s3 =	rddreg [dreg:$0x0]  }
0x2: {  	s6 =	rddreg [dreg:$0x1];
	s0 =	srdreg.scid  }
0x3: {  	s7 =	stileid.u32;
	s1 =	rddreg [dreg:$0x2]  }
0x4: {  	s2 =	simm.s32 $0x0;
	s11 =	simm.s32 $0x80;
	s12 =	simm.s32 $0x0  }
0x5: {  	s5 =	sand.u32 $0x1, s0;
	s4 =	sshll.u32 s7, $0x1;
	s0 =	rddreg [dreg:$0x3]  }
0x6: {  	[smem:$0x7FF] =	sst s2;
	p0 =	sne.s32 s7, $0x0;
	s4 =	sor.u32 s5, s4  }
0x7: {  	s8 =	ssub.s32 $0x2, s5;
	s10 =	sshll.u32 s5, $0x4;
	s4 =	smul.u32 $0x500, s4  }
0x8: {  	_ =	strace $0x80000047;
	s31 =	sshrl.u32 s8, $0x1;
	s6 =	sadd.s32 s6, s10  }
0x9: {  	s10 =	simm.s32 $0x2800;
	s8 =	ssub.s32 s8, s31;
	s9 =	sadd.s32 s4, s3  }
0xa: {  	s3 =	sadd.s32 $0x1F800, s3;
	s7 =	smax.u32 s8, $0x1;
	s8 =	sshrl.u32 @!p0 s1, $0x3  }
0xb: {  	s4 =	sadd.s32 $0x15800, s9;
	s5 =	sadd.s32 $0x1800, s9;
	s9 =	simm.s32 $0x1  }
.LBB2_1:
0xc: {  	s13 =	simm.s32 @!p0 $0x1C01  }
0xd: {  	[spmem:s8], [sflag:s13] =	dma.local @!p0 [hbm:s3], $0x4F0  }
0xe: {  	s13 =	simm.s32 @!p0 $0x1  }
0xf: {  	_ =	swait.ge @!p0 [sflag:s13], $0x4F0  }
0x10: {  	[sflag:s13] =	ssyncset.done @!p0 $0x0  }
0x11: {  	[sflag:s13] =	ssyncadd.s32 @!p0 $0xFFFFFB10  }
0x12: {  	[tilespmem:s2], [sflag:$0x1] =	stream.linear.gather [hbm4b:s4+s2], $0x2800, $0x38;
	[tilespmem:$0x5278] =	vst v63  }
0x13: {  	_ =	swait.ge [sflag:s9], $0x2800  }
0x14: {  	[sflag:s9] =	ssyncset.done $0x0  }
0x15: {  	[sflag:s9] =	ssyncadd.s32 $0xFFFFD800  }
0x16: {  	[tilespmem:s10], [sflag:$0x1] =	stream.linear.gather [hbm4b:s5+s2], $0x2800, $0x38;
	[tilespmem:$0x5278] =	vst v63  }
0x17: {  	_ =	swait.ge [sflag:s9], $0x2800  }
0x18: {  	[sflag:s9] =	ssyncset.done $0x0  }
0x19: {  	s14 =	simm.s32 $0x40;
	s13 =	simm.s32 $0x0;
	[sflag:s9] =	ssyncadd.s32 $0xFFFFD800  }
.LBB2_2:
0x1a: {  	p1 =	sne.s32 s14, $0x9FC0;
	v0 =	vld [tilespmem:s13+$0x2800];
	_ =	sdelay $0x1  }
.Ltmp0:
0x1b: {  	(pc) =	sbr.rel @p1 .LBB2_2-.Ltmp0, $3  }
0x1c: {  	_ =	sdelay $0x1  }
0x1d: {  	v0 =	vand.u32 $0x7FFFFFFF, v0  }
0x1e: {  	[tilespmem:s13+$0x2800] =	vst v0;
	s13 =	sshra.s32 s14, $0x2;
	s14 =	sadd.s32 $0x40, s14  }
0x1f: {  	v0 =	vld [tilespmem:s13+$0x2800];
	_ =	sdelay $0x4  }
0x20: {  	v0 =	vand.u32 $0x7FFFFFFF, v0  }
0x21: {  	[tilespmem:s13+$0x2800] =	vst v0  }
0x22: {  	s31 =	simm.s32 $0x0;
	s14 =	simm.s32 $0x2800;
	[bflag:$0x0] =	sbarrier.arrive $0xFFFF  }
0x23: {  	[spmem:s1] =	stream.indirect.scatter.add.f32 [tilespmem:s14], [sflag:$0x1], $0x1, s31, s11, $0xb8;
	[tilespmem:$0x5278] =	vst v63  }
0x24: {  	s13 =	simm.s32 $0x200;
	_ =	swait.ge [sflag:s9], $0x80  }
.LBB2_4:
0x25: {  	s14 =	sshra.s32 s13, $0x2;
	[sflag:s9] =	ssyncset.done $0x0;
	p1 =	sne.s32 s13, $0x9E00  }
.Ltmp1:
0x26: {  	s15 =	sadd.s32 $0x2800, s14;
	[sflag:s9] =	ssyncadd.s32 $0xFFFFFF80;
	(pc) =	sbr.rel @p1 .LBB2_4-.Ltmp1, $3  }
0x27: {  	[spmem:s1] =	stream.indirect.scatter.add.f32 [tilespmem:s15], [sflag:$0x1], $0x1, s14, s11, $0xb8;
	[tilespmem:$0x5278] =	vst v63  }
0x28: {  	s13 =	sadd.s32 $0x200, s13;
	_ =	sdelay $0x1  }
0x29: {  	_ =	swait.ge [sflag:s9], $0x80  }
0x2a: {  	[sflag:s9] =	ssyncset.done $0x0  }
0x2b: {  	s13 =	simm.s32 @!p0 $0x1;
	s14 =	simm.s32 @!p0 $0x20;
	s12 =	sadd.s32 $0x1, s12  }
0x2c: {  	s15 =	simm.s32 @!p0 $0x10;
	[sflag:s9] =	ssyncadd.s32 $0xFFFFFF80;
	p1 =	sne.s32 s12, s7  }
.Ltmp2:
0x2d: {  	s16 =	simm.s32 @!p0 $0x1C01;
	[bflag:$0x0] =	sbarrier.arrive $0xFFFF;
	(pc) =	sbr.rel @p1 .LBB2_1-.Ltmp2, $4  }
0x2e: {  	[hbm:s6@s14], [sflag:s16] =	dma.strided @!p0 [spmem:s8@s15], $0x4F0, s13, $0x10   }
0x2f: {  	_ =	swait.ge @!p0 [sflag:s13], $0x4F0  }
0x30: {  	[sflag:s13] =	ssyncset.done @!p0 $0x0  }
0x31: {  	[sflag:s13] =	ssyncadd.s32 @!p0 $0xFFFFFB10  }
0x32: {  	_ =	sfence.sel $0x180000  }
0x33: {  	[bflag:$0x0] =	sbarrier.arrive $0xFFFF  }
0x34: {  	_ =	strace $0x90000047  }
0x35: {  	s0 =	sadd.s32 @!p0 $0x100000, s0;
	[bflag:$0x2] =	sbarrier.arrive $0xFFFF  }
0x36: {  	[sflag:s0] =	ssyncadd.tile.s32 @!p0 $0x1;
	_ =	shalt  }
.Lfunc_end2:
_tile_overlayer_lowered:
.L_overlay_start_2:
0x37: {  	(tag) =	ssettag $0x2  }
0x38: {  	s0 =	rddreg [dreg:$0x0];
	s2 =	stileid.u32  }
0x39: {  	s1 =	rddreg [dreg:$0x1];
	p0 =	sne.s32 s2, $0x0  }
0x3a: {  	s3 =	rddreg [dreg:$0x2];
	[bflag:$0x3] =	sbarrier.arrive $0xFFFF;
	s2 =	simm.s32 @!p0 $0x1C01  }
0x3b: {  	[timem:s3], [sflag:s2] =	dma.local @!p0 [hbm:s0], s1  }
0x3c: {  	s0 =	simm.s32 @!p0 $0x1  }
0x3d: {  	_ =	swait.ge @!p0 [sflag:s0], s1  }
0x3e: {  	s1 =	ssub.s32 @!p0 $0x0, s1;
	[sflag:s0] =	ssyncset.done @!p0 $0x0  }
0x3f: {  	[sflag:s0] =	ssyncadd.s32 @!p0 s1  }
0x40: {  	[bflag:$0x3] =	sbarrier.arrive $0xFFFF  }
0x41: {  	_ =	shalt  }

// kernel: kernel.9.cloned.1.call-start
scs
__scs_entry_jumppad:
0x0: {  	(pc) =	sbr.rel $0x88, $3  }
0x1: {  	(tag) =	ssettag $0x0;
	lr =	simm.s32 $0x1  }
0x2: {  	[smem:$0x3F9A] =	sst lr;
	_ =	strace $0xD0000000  }
0x3: {  	_ = 	snop  }
0x4: {  	_ = 	snop  }
0x5: {  	_ = 	snop  }
0x6: {  	_ = 	snop  }
0x7: {  	_ = 	snop  }
__scs_overlays_trampoline_lowered:
0x8: {  	[smem:$0x3FA9] =	sst s0  }
0x9: {  	[smem:$0x3FAA] =	sst s1  }
0xa: {  	[smem:$0x3FAB] =	sst s2  }
0xb: {  	[smem:$0x3FAC] =	sst s3  }
0xc: {  	[smem:$0x3FAD] =	sst s4  }
0xd: {  	[smem:$0x3FAE] =	sst s5  }
0xe: {  	[smem:$0x3FAF] =	sst s6  }
0xf: {  	[smem:$0x3FB0] =	sst s7  }
0x10: {  	[smem:$0x3FB1] =	sst s8  }
0x11: {  	[smem:$0x3FB2] =	sst s9;
	s0 =	simm.s32 @!p0 $0x0  }
0x12: {  	s1 =	sld [smem:$0x3F98];
	s0 =	simm.s32 @p0 $0x1  }
0x13: {  	[smem:$0x3FB3] =	sst s0;
	s0 =	simm.s32 @!p1 $0x0  }
0x14: {  	s2 =	sld [smem:$0x3F97];
	s0 =	simm.s32 @p1 $0x1  }
0x15: {  	[smem:$0x3FB4] =	sst s0;
	s0 =	simm.s32 @!p2 $0x0  }
0x16: {  	s3 =	sld [smem:$0x3FDB];
	s0 =	simm.s32 @p2 $0x1  }
0x17: {  	s4 =	simm.s32 $0x1BF5;
	[smem:$0x3FB6] =	sst s0  }
0x18: {  	s0 =	sld [smem:$0x3F99];
	_ =	swait.ge [sflag:s4], $0x0  }
0x19: {  	s7 =	sld [smem:$0x3F9A]  }
0x1a: {  	s8 =	sadd.s32 $0xFFFFE003, lr  }
0x1b: {  	s9 =	sadd.s32 $0xFFFFFEF7, lr;
	s5 =	simm.s32 $0xFFFFFFFF;
	p2 =	slt.u32 s8, $0xFFFFF086  }
0x1c: {  	p1 =	slt.u32 s9, $0xF7A;
	s5 =	simm.s32 @!p2 $0x0  }
0x1d: {  	s5 =	simm.s32 @p1 $0x1;
	p0 =	seq.s32 s7, s2  }
0x1e: {  	s7 =	smul.u32 @!p0 $0xF7A, s2;
	p2 =	seq.s32 @!p0 s5, $0x0  }
0x1f: {  	s9 =	smul.u32 $0xF7A, s1;
	s8 =	simm.s32 @!p0 $0x1BF5;
	p2 =	por !p2, p0  }
0x20: {  	[sflag:s8] =	ssyncset.s32 @!p0 $0xFFFFF086;
	s6 =	sadd.s32 @!p0 s3, s7;
	s7 =	simm.s32 @!p0 $0x108  }
0x21: {  	s3 =	sadd.s32 s3, s9;
	s6 =	sadd.s32 @!p0 $0x88, s6;
	s7 =	simm.s32 @p2 $0x1082  }
0x22: {  	[simem:s7], [sflag:s8] =	dma.local @!p0 [hbm:s6], $0xF7A  }
0x23: {  	s9 =	sor.u32 $0xD0000000, s2;
	s6 =	simm.s32 $0x108;
	_ =	swait.ge @!p0 [sflag:s8], $0x0  }
0x24: {  	s3 =	sadd.s32 $0x88, s3;
	s6 =	simm.s32 @!p1 $0x1082;
	[sflag:s4] =	ssyncset.s32 $0xFFFFF086  }
0x25: {  	[simem:s6], [sflag:s4] =	dma.local [hbm:s3], $0xF7A  }
0x26: {  	[smem:$0x3F9A] =	sst s1;
	(tag) =	ssettag s2;
	_ =	strace s9  }
0x27: {  	s1 =	sld [smem:$0x3FAA]  }
0x28: {  	s2 =	sld [smem:$0x3FAB]  }
0x29: {  	s4 =	sld [smem:$0x3FAD]  }
0x2a: {  	p0 =	seq.s32 s5, $0x0;
	s5 =	sld [smem:$0x3FAE]  }
0x2b: {  	s6 =	sld [smem:$0x3FAF]  }
0x2c: {  	s7 =	sld [smem:$0x3FB0]  }
0x2d: {  	s3 =	simm.s32 $0x108;
	s8 =	sld [smem:$0x3FB1]  }
0x2e: {  	s3 =	simm.s32 @!p0 $0x1082;
	s9 =	sld [smem:$0x3FB2]  }
0x2f: {  	lr =	sadd.s32 s0, s3;
	s0 =	sld [smem:$0x3FA9]  }
0x30: {  	s3 =	sld [smem:$0x3FAC]  }
0x31: {  	[smem:$0x3FB5] =	sst s10  }
0x32: {  	s10 =	sld [smem:$0x3FB3];
	_ =	sdelay $0x3  }
0x33: {  	p0 =	seq.s32 s10, $0x1;
	s10 =	sld [smem:$0x3FB5];
	_ =	sdelay $0x3  }
0x34: {  	[smem:$0x3FB5] =	sst s10  }
0x35: {  	s10 =	sld [smem:$0x3FB4];
	_ =	sdelay $0x3  }
0x36: {  	p1 =	seq.s32 s10, $0x1;
	s10 =	sld [smem:$0x3FB5];
	_ =	sdelay $0x3  }
0x37: {  	[smem:$0x3FB5] =	sst s10  }
0x38: {  	s10 =	sld [smem:$0x3FB6]  }
0x39: {  	_ = 	snop;
	(pc) =	sbr.ind lr, $3  }
0x3a: {  	_ = 	snop  }
0x3b: {  	_ = 	snop  }
0x3c: {  	p2 =	seq.s32 s10, $0x1;
	s10 =	sld [smem:$0x3FB5]  }
0x3d: {  	_ =	shalt  }
0x3e: {  	_ =	shalt  }
0x3f: {  	_ =	shalt  }
0x40: {  	_ =	shalt  }
0x41: {  	_ =	shalt  }
0x42: {  	_ =	shalt  }
0x43: {  	_ =	shalt  }
0x44: {  	_ =	shalt  }
0x45: {  	_ =	shalt  }
0x46: {  	_ =	shalt  }
0x47: {  	_ =	shalt  }
0x48: {  	_ =	shalt  }
0x49: {  	_ =	shalt  }
0x4a: {  	_ =	shalt  }
0x4b: {  	_ =	shalt  }
0x4c: {  	_ =	shalt  }
0x4d: {  	_ =	shalt  }
0x4e: {  	_ =	shalt  }
0x4f: {  	_ =	shalt  }
0x50: {  	_ =	shalt  }
0x51: {  	_ =	shalt  }
0x52: {  	_ =	shalt  }
0x53: {  	_ =	shalt  }
0x54: {  	_ =	shalt  }
0x55: {  	_ =	shalt  }
0x56: {  	_ =	shalt  }
0x57: {  	_ =	shalt  }
0x58: {  	_ =	shalt  }
0x59: {  	_ =	shalt  }
0x5a: {  	_ =	shalt  }
0x5b: {  	_ =	shalt  }
0x5c: {  	_ =	shalt  }
0x5d: {  	_ =	shalt  }
0x5e: {  	_ =	shalt  }
0x5f: {  	_ =	shalt  }
0x60: {  	_ =	shalt  }
0x61: {  	_ =	shalt  }
0x62: {  	_ =	shalt  }
0x63: {  	_ =	shalt  }
0x64: {  	_ =	shalt  }
0x65: {  	_ =	shalt  }
0x66: {  	_ =	shalt  }
0x67: {  	_ =	shalt  }
0x68: {  	_ =	shalt  }
0x69: {  	_ =	shalt  }
0x6a: {  	_ =	shalt  }
0x6b: {  	_ =	shalt  }
0x6c: {  	_ =	shalt  }
0x6d: {  	_ =	shalt  }
0x6e: {  	_ =	shalt  }
0x6f: {  	_ =	shalt  }
0x70: {  	_ =	shalt  }
0x71: {  	_ =	shalt  }
0x72: {  	_ =	shalt  }
0x73: {  	_ =	shalt  }
0x74: {  	_ =	shalt  }
0x75: {  	_ =	shalt  }
0x76: {  	_ =	shalt  }
0x77: {  	_ =	shalt  }
0x78: {  	_ =	shalt  }
0x79: {  	_ =	shalt  }
0x7a: {  	_ =	shalt  }
0x7b: {  	_ =	shalt  }
0x7c: {  	_ =	shalt  }
0x7d: {  	_ =	shalt  }
0x7e: {  	_ =	shalt  }
0x7f: {  	_ =	shalt  }
0x80: {  	_ =	shalt  }
0x81: {  	_ =	shalt  }
0x82: {  	_ =	shalt  }
0x83: {  	_ =	shalt  }
0x84: {  	_ =	shalt  }
0x85: {  	_ =	shalt  }
0x86: {  	_ =	shalt  }
0x87: {  	_ =	shalt  }
.Lfunc_end0:
.L_simem_size_0:
called_computation.1_lowered:
.L_overlay_start_0:
0x88: {  	s2 =	sld [smem:$0x3FD9]  }
0x89: {  	s3 =	sld [smem:$0x3FFE];
	_ =	sdelay $0x1  }
0x8a: {  	s1 =	srdreg.scid  }
0x8b: {  	s0 =	sand.u32 $0x1, s1  }
0x8c: {  	s17 =	sshll.u32 s0, $0xA;
	s2 =	sadd.s32 s3, s2  }
0x8d: {  	s2 =	sadd.s32 s2, s17  }
0x8e: {  	[smem:$0x3FC1] =	sst s2  }
0x8f: {  	_ = 	snop  }
0x90: {  	s2 =	sld [smem:$0x3FD0];
	(tm) =	ssettm $0x1  }
0x91: {  	s18 =	sld [smem:$0x3FFB];
	_ =	sdelay $0x3  }
0x92: {  	_ =	strace s18  }
0x93: {  	s3 =	sld [smem:$0x3FFC];
	_ =	sdelay $0x3  }
0x94: {  	_ =	strace s3  }
0x95: {  	s3 =	sld [smem:$0x3FFD];
	_ =	sdelay $0x3  }
0x96: {  	_ =	strace s3  }
0x97: {  	_ =	strace $0x8FFFFFFF  }
0x98: {  	s19 =	sld [smem:$0x3FDB];
	_ =	sdelay $0x1  }
0x99: {  	s4 =	simm.s32 $_scs_section_size  }
0x9a: {  	s5 =	simm.s32 $_size__tile_overlayer_lowered;
	s6 =	simm.s32 $_tile_overlayer_lowered  }
0x9b: {  	s22 =	simm.s32 $0x1BFF;
	s21 =	sshll.u32 s6, $0x1;
	s3 =	sadd.s32 s4, s19  }
0x9c: {  	s7 =	simm.s32 $0x0;
	s20 =	sshll.u32 s5, $0x1;
	s5 =	sadd.s32 s21, s3  }
0x9d: {  	[timem:s7], [sflag:s22] =	dma.local [hbm:s5], s20  }
0x9e: {  	_ =	swait.ge [sflag:s22], s20  }
0x9f: {  	s4 =	ssub.s32 $0x0, s20;
	[sflag:s22] =	ssyncset.done $0x0  }
0xa0: {  	[sflag:s22] =	ssyncadd.s32 s4;
	_ =	sdelay $0x1  }
0xa1: {  	s23 =	simm.s32 $0x1B8B  }
0xa2: {  	_ =	swait.ge [sflag:s23], $0x1  }
0xa3: {  	[sflag:s23] =	ssyncset.done $0x0  }
0xa4: {  	s25 =	simm.s32 $0x1B8E;
	s24 =	sld [smem:$0x3FFE];
	[sflag:s23] =	ssyncadd.s32 $0xFFFFFFFF  }
0xa5: {  	s26 =	simm.s32 $execute0_lowered;
	[smem:$0x3FD2] =	sst s25  }
0xa6: {  	s5 =	sshll.u32 s26, $0x1;
	_ =	strace $0x80000049;
	[dreg:$0x1] =	wrdreg $0xFFFFFFFF  }
0xa7: {  	s28 =	simm.s32 $_size_execute0_lowered;
	s3 =	sadd.s32 s3, s5;
	[dreg:$0x0] =	wrdreg $0x0  }
0xa8: {  	s5 =	sshll.u32 s28, $0x1;
	[dreg:$0x2] =	wrdreg s3  }
0xa9: {  	[dreg:$0x3] =	wrdreg s5  }
0xaa: {  	[dreg:$0x4] =	wrdreg $0xC0  }
0xab: {  	_ =	task [dreg:s7], $0x5FFFF  }
0xac: {  	[dreg:$0x1] =	wrdreg $0xFFFFFFFF  }
0xad: {  	[dreg:$0x0] =	wrdreg $0x60  }
0xae: {  	[dreg:$0x2] =	wrdreg s2  }
0xaf: {  	[dreg:$0x3] =	wrdreg s24  }
0xb0: {  	[dreg:$0x4] =	wrdreg $0xAA000  }
0xb1: {  	[dreg:$0x5] =	wrdreg $0x9  }
0xb2: {  	_ =	task.clear_ibuf [dreg:s7], $0x6FFFF;
	_ =	strace $0x90000049  }
0xb3: {  	s29 =	simm.s32 $0x9;
	_ =	strace $0x8000004B  }
0xb4: {  	_ =	swait.ge [sflag:s29], $0x1  }
0xb5: {  	[sflag:s29] =	ssyncadd.s32 $0xFFFFFFFF  }
0xb6: {  	_ =	strace $0x9000004B  }
0xb7: {  	_ =	sfence  }
0xb8: {  	s30 =	sld [smem:$0x0];
	_ =	sdelay $0x2  }
0xb9: {  	s31 =	sshll.u32 s1, $0xD;
	s1 =	sshrl.u32 s1, $0x2  }
0xba: {  	s3 =	sand.u32 $0x4000, s31;
	s1 =	sadd.s32 s1, s30  }
0xbb: {  	s0 =	sor.u32 s3, s0;
	s1 =	sshll.u32 s1, $0x11  }
0xbc: {  	s0 =	sor.u32 s1, s0  }
0xbd: {  	s0 =	sadd.s32 $0x8F2B, s0  }
0xbe: {  	[sflag:s0] =	ssyncadd.remote.s32 $0x1  }
0xbf: {  	_ =	sfence.sel $0xFFFF  }
0xc0: {  	[dreg:$0x0] =	wrdreg $0xFFFFFFFF;
	(pc) =	sbr.abs _section_cstart, $3  }
0xc1: {  	[dreg:$0x1] =	wrdreg $0xFFFFFFFF  }
0xc2: {  	_ =	task.clear_ibuf [dreg:s7], $0x2FFFF;
	_ =	strace $0x9FFFFFFF  }
0xc3: {  	(tm) =	ssettm $0x7FFFFFFF  }
tec
execute0_lowered:
.L_overlay_start_1:
0x0: {  	(tag) =	ssettag $0x1  }
0x1: {  	s1 =	rddreg [dreg:$0x0]  }
0x2: {  	s0 =	srdreg.scid;
	s2 =	rddreg [dreg:$0x1]  }
0x3: {  	s16 =	stileid.u32;
	s3 =	rddreg [dreg:$0x2]  }
0x4: {  	s28 =	simm.s32 $0x80;
	s29 =	simm.s32 $0x2A00;
	s30 =	simm.s32 $0x1  }
0x5: {  	s31 =	simm.s32 $0x4;
	s0 =	sand.u32 $0x1, s0;
	s4 =	sshll.u32 s16, $0x1  }
0x6: {  	s10 =	smul.u32 $0x13800, s16;
	s6 =	sadd.s32 $0xB800, s2;
	s7 =	sadd.s32 $0x15800, s2  }
0x7: {  	s13 =	smul.u32 $0x4E000, s16;
	s14 =	sadd.s32 $0x46A00, s2;
	s18 =	sshll.u32 s16, $0x6  }
0x8: {  	s19 =	sadd.s32 $0x138000, s3;
	p0 =	sne.s32 s16, $0xF;
	s5 =	sor.u32 s0, s4  }
0x9: {  	s4 =	simm.s32 $0x0;
	s12 =	ssub.s32 $0x2, s0;
	s0 =	smul.u32 $0x138800, s0  }
0xa: {  	s5 =	smul.u32 $0x2800, s5;
	[smem:$0x7FF] =	sst s4;
	s9 =	sshrl.u32 s10, $0x3  }
0xb: {  	s15 =	sshrl.u32 s12, $0x1;
	s13 =	sshrl.u32 s13, $0x2;
	_ =	strace $0x8000004A  }
0xc: {  	s9 =	sadd.s32 s9, s2;
	s12 =	ssub.s32 s12, s15;
	s13 =	sadd.s32 s13, s3  }
0xd: {  	s15 =	sor.u32 $0x1C07, s18;
	[dreg:$0x6] =	wrdreg s19;
	s10 =	sadd.s32 s10, s0  }
0xe: {  	s0 =	sshrl.u32 s0, $0x3;
	s8 =	sshrl.u32 s5, $0x3;
	s9 =	sadd.s32 $0x1F800, s9  }
0xf: {  	s24 =	sshrl.u32 s10, $0x3;
	s0 =	sadd.s32 s14, s0;
	[dreg:$0x5] =	wrdreg s15  }
0x10: {  	s26 =	smax.u32 s12, $0x1;
	s12 =	sshrl.u32 s13, $0x3;
	[dreg:$0x4] =	wrdreg s9  }
0x11: {  	s10 =	simm.s32 $0x0;
	s11 =	sadd.s32 s8, s2;
	[dreg:$0xf] =	wrdreg s26  }
0x12: {  	s2 =	sadd.s32 $0x46800, s2;
	s21 =	sadd.s32 s6, s8;
	[dreg:$0x10] =	wrdreg s12  }
0x13: {  	s22 =	sor.u32 $0x10, s8;
	s8 =	sadd.s32 s7, s8;
	[dreg:$0x7] =	wrdreg s2  }
0x14: {  	s25 =	sadd.s32 s14, s24;
	s0 =	sadd.s32 $0x27000, s0;
	[dreg:$0x9] =	wrdreg s21  }
0x15: {  	s24 =	simm.s32 $0x2900;
	s20 =	sadd.s32 $0x1800, s11;
	[dreg:$0xb] =	wrdreg s8  }
.Ltmp0:
0x16: {  	s23 =	sadd.s32 s6, s22;
	[dreg:$0xd] =	wrdreg s25;
	(pc) =	sbr.rel .LBB2_1-.Ltmp0, $4  }
0x17: {  	s2 =	sadd.s32 s7, s22;
	[dreg:$0xe] =	wrdreg s0;
	s21 =	simm.s32 $0x7  }
0x18: {  	s25 =	simm.s32 $0x2980;
	s0 =	simm.s32 $0x5;
	[dreg:$0x8] =	wrdreg s20  }
0x19: {  	s8 =	simm.s32 $0x2;
	s22 =	simm.s32 $0x6;
	[dreg:$0xa] =	wrdreg s23  }
0x1a: {  	[dreg:$0xc] =	wrdreg s2;
	s23 =	simm.s32 $0x2880;
	s2 =	simm.s32 $0x6A00  }
.LBB2_10:
0x1b: {  	[bflag:$0x0] =	sbarrier.arrive $0xFFFF  }
0x1c: {  	s15 =	rddreg [dreg:$0x5]  }
0x1d: {  	s9 =	rddreg [dreg:$0xd]  }
0x1e: {  	s12 =	rddreg [dreg:$0x10]  }
0x1f: {  	[hbm:s9], [sflag:s15] =	dma.local [spmem:s12], $0x2700  }
0x20: {  	_ =	swait.ge [sflag:s21], $0x2700  }
0x21: {  	[sflag:s21] =	ssyncset.done $0x0;
	s9 =	rddreg [dreg:$0xe]  }
0x22: {  	s11 =	rddreg [dreg:$0x11];
	[sflag:s21] =	ssyncadd.s32 $0xFFFFD900  }
0x23: {  	[hbm:s9], [sflag:s15] =	dma.local @!p0 [spmem:s11], $0x100  }
0x24: {  	s9 =	simm.s32 @!p0 $0x7  }
0x25: {  	_ =	swait.ge @!p0 [sflag:s9], $0x100  }
0x26: {  	s10 =	sadd.s32 $0x1, s10;
	s26 =	rddreg [dreg:$0xf]  }
0x27: {  	p1 =	sne.s32 s10, s26  }
.Ltmp1:
0x28: {  	_ = 	snop;
	(pc) =	sbr.rel @!p1 .LBB2_11-.Ltmp1, $3  }
0x29: {  	_ =	sdelay $0x1  }
0x2a: {  	[sflag:s9] =	ssyncset.done @!p0 $0x0  }
0x2b: {  	[sflag:s9] =	ssyncadd.s32 @!p0 $0xFFFFFF00  }
.LBB2_1:
0x2c: {  	s9 =	rddreg [dreg:$0x4]  }
0x2d: {  	[spmem:s12], [sflag:s15] =	dma.local [hbm:s9], $0x2700  }
0x2e: {  	_ =	swait.ge [sflag:s21], $0x2700  }
0x2f: {  	s9 =	rddreg [dreg:$0x6]  }
0x30: {  	[sflag:s21] =	ssyncset.done $0x0;
	s11 =	sshrl.u32 @!p0 s9, $0x3;
	s9 =	rddreg [dreg:$0x7]  }
0x31: {  	s12 =	simm.s32 @!p0 $0x7;
	[sflag:s21] =	ssyncadd.s32 $0xFFFFD900;
	[dreg:$0x11] =	wrdreg s11  }
0x32: {  	[spmem:s11], [sflag:s15] =	dma.local @!p0 [hbm:s9], $0x100  }
0x33: {  	_ =	swait.ge @!p0 [sflag:s12], $0x100  }
0x34: {  	[sflag:s12] =	ssyncset.done @!p0 $0x0  }
0x35: {  	s26 =	rddreg [dreg:$0x8];
	[sflag:s12] =	ssyncadd.s32 @!p0 $0xFFFFFF00  }
0x36: {  	[tilespmem:s4], [sflag:$0x7] =	stream.linear.gather [hbm4b:s26+s4], $0x2800, $0x38;
	[tilespmem:$0x1E280] =	vst v63  }
0x37: {  	_ =	swait.ge [sflag:s21], $0x2800  }
0x38: {  	[sflag:s21] =	ssyncset.done $0x0  }
0x39: {  	s13 =	simm.s32 $0x40;
	s12 =	simm.s32 $0x0;
	[sflag:s21] =	ssyncadd.s32 $0xFFFFD800  }
.LBB2_2:
0x3a: {  	p1 =	sne.s32 s13, $0x9FC0;
	v0 =	vld [tilespmem:s12+$0x0];
	_ =	sdelay $0x1  }
.Ltmp2:
0x3b: {  	(pc) =	sbr.rel @p1 .LBB2_2-.Ltmp2, $3  }
0x3c: {  	_ =	sdelay $0x1  }
0x3d: {  	v0 =	vand.u32 $0x7FFFFFFF, v0  }
0x3e: {  	[tilespmem:s12+$0x0] =	vst v0;
	s12 =	sshra.s32 s13, $0x2;
	s13 =	sadd.s32 $0x40, s13  }
0x3f: {  	v0 =	vld [tilespmem:s12+$0x0];
	_ =	sdelay $0x4  }
0x40: {  	v0 =	vand.u32 $0x7FFFFFFF, v0  }
0x41: {  	[tilespmem:s12+$0x0] =	vst v0  }
0x42: {  	[bflag:$0x0] =	sbarrier.arrive $0xFFFF  }
0x43: {  	s11 =	simm.s32 $0x2800;
	s12 =	simm.s32 $0x0;
	s9 =	rddreg [dreg:$0x9]  }
0x44: {  	[tilespmem:s11], [sflag:$0x3] =	stream.linear.gather [hbm4b:s9+s12], $0x80, $0x38;
	[tilespmem:$0x1E280] =	vst v63  }
0x45: {  	s18 =	rddreg [dreg:$0xa]  }
0x46: {  	[tilespmem:s23], [sflag:$0x4] =	stream.linear.gather [hbm4b:s18+s12], $0x80, $0x38;
	[tilespmem:$0x1E280] =	vst v63  }
0x47: {  	s19 =	rddreg [dreg:$0xb]  }
0x48: {  	[tilespmem:s24], [sflag:$0x5] =	stream.linear.gather [hbm4b:s19+s12], $0x80, $0x38;
	[tilespmem:$0x1E280] =	vst v63  }
0x49: {  	s26 =	simm.s32 $0x3;
	s20 =	rddreg [dreg:$0xc]  }
0x4a: {  	[tilespmem:s25], [sflag:$0x6] =	stream.linear.gather [hbm4b:s20+s12], $0x80, $0x38;
	[tilespmem:$0x1E280] =	vst v63  }
0x4b: {  	_ =	swait.ge [sflag:s26], $0x80  }
0x4c: {  	[sflag:s26] =	ssyncset.done $0x0  }
0x4d: {  	s13 =	simm.s32 $0x0;
	[sflag:s26] =	ssyncadd.s32 $0xFFFFFF80  }
0x4e: {  	[tilespmem:s29], [sflag:$0x1] =	stream.indirect.gather [hbm4b:s1+s28], $0x80, s11, s28, $0xb8;
	[tilespmem:$0x1E280] =	vst v63  }
.LBB2_4:
0x4f: {  	s14 =	sshll.u32 s13, $0x1  }
0x50: {  	p1 =	seq.s32 s13, $0x27;
	s15 =	sadd.s32 $0x2, s14  }
0x51: {  	_ =	swait.ge [sflag:s30], $0x4000;
	s17 =	sadd.s32 $0xFFFFFFF8, s12;
	s15 =	sshll.u32 @!p1 s15, $0x7  }
0x52: {  	[sflag:s30] =	ssyncset.done $0x0;
	s16 =	sadd.s32 $0x8, s17;
	s15 =	sadd.s32 @!p1 s5, s15  }
0x53: {  	s19 =	simm.s32 @!p1 $0x0;
	s26 =	simm.s32 @!p1 $0x2800;
	v0 =	vmov s16;
	s15 =	sshrl.u32 @!p1 s15, $0x3  }
0x54: {  	s9 =	sadd.s32 $0x9, s17;
	[sflag:s30] =	ssyncadd.s32 $0xFFFFC000;
	v0 =	vand.u32 $0xFFFFFFF8, v0;
	s18 =	sadd.s32 @!p1 s6, s15  }
0x55: {  	v2 =	vmov s9;
	v0 =	vbroadcast v0, $0x0;
	[tilespmem:s26], [sflag:$0x3] =	stream.linear.gather @!p1 [hbm4b:s18+s19], $0x80, $0x38;
	[tilespmem:$0x1E280] =	vst v63  }
0x56: {  	v2 =	vand.u32 $0xFFFFFFF9, v2;
	_ =	swait.ge [sflag:s31], $0x80  }
0x57: {  	v2 =	vbroadcast v2, $0x0;
	[sflag:s31] =	ssyncset.done $0x0  }
0x58: {  	s16 =	simm.s32 $0x2C00;
	[sflag:s31] =	ssyncadd.s32 $0xFFFFFF80  }
0x59: {  	[tilespmem:s2], [sflag:$0x2] =	stream.indirect.gather [hbm4b:s1+s28], $0x80, s23, s28, $0xb8;
	[tilespmem:$0x1E280] =	vst v63  }
0x5a: {  	v3 =	vld [tilespmem:s16+$0xFFFFFE00]  }
0x5b: {  	v4 =	vld.idx.msk [tilespmem:v0+s4+$0x0], $0xffff  }
0x5c: {  	v5 =	vld [tilespmem:s16+$0xFFFFFE10]  }
0x5d: {  	v2 =	vld.idx.msk [tilespmem:v2+s4+$0x0], $0xffff  }
0x5e: {  	v6 =	vld [tilespmem:s16+$0xFFFFFE30]  }
0x5f: {  	s26 =	sadd.s32 $0xE, s17;
	v7 =	vld [tilespmem:s16+$0xFFFFFE40]  }
0x60: {  	v1 =	vmov s26;
	v8 =	vld [tilespmem:s16+$0xFFFFFE50]  }
0x61: {  	s11 =	sadd.s32 $0xA, s17;
	v1 =	vand.u32 $0xFFFFFFFE, v1;
	v9 =	vld [tilespmem:s16+$0xFFFFFE60]  }
0x62: {  	v10 =	vmov s11;
	v1 =	vbroadcast v1, $0x0;
	v11 =	vld [tilespmem:s16+$0xFFFFFE70]  }
0x63: {  	v10 =	vand.u32 $0xFFFFFFFA, v10;
	v12 =	vld [tilespmem:s16+$0xFFFFFE80]  }
0x64: {  	v10 =	vbroadcast v10, $0x0;
	v13 =	vld [tilespmem:s16+$0xFFFFFE90]  }
0x65: {  	v14 =	vld [tilespmem:s16+$0xFFFFFEA0]  }
0x66: {  	v15 =	vld [tilespmem:s16+$0xFFFFFEB0]  }
0x67: {  	v55 =	vld [tilespmem:s16+$0xFFFFFED0];
	v3 =	vmul.f32 v3, v4  }
0x68: {  	v0 =	vld.idx.msk [tilespmem:v1+s4+$0x0], $0xffff;
	v5 =	vmul.f32 v5, v4  }
0x69: {  	v1 =	vld [tilespmem:s16+$0x170];
	v7 =	vmul.f32 v7, v4;
	[tilespmem:s16+$0xFFFFFE00] =	vst v3  }
0x6a: {  	v10 =	vld.idx.msk [tilespmem:v10+s4+$0x0], $0xffff;
	v6 =	vmul.f32 v6, v4;
	[tilespmem:s16+$0xFFFFFE10] =	vst v5  }
0x6b: {  	v3 =	vld [tilespmem:s16+$0xFFFFFE20];
	[tilespmem:s16+$0xFFFFFE40] =	vst v7;
	v7 =	vmul.f32 v9, v4  }
0x6c: {  	v56 =	vld [tilespmem:s16+$0xFFFFFF30];
	v5 =	vmul.f32 v12, v2;
	[tilespmem:s16+$0xFFFFFE30] =	vst v6  }
0x6d: {  	v57 =	vld [tilespmem:s16+$0xFFFFFF40];
	[tilespmem:s16+$0xFFFFFE60] =	vst v7;
	v7 =	vmul.f32 v13, v2  }
0x6e: {  	v58 =	vld [tilespmem:s16+$0xFFFFFFB0];
	v1 =	vmul.f32 v1, v0;
	[tilespmem:s16+$0xFFFFFE80] =	vst v5  }
0x6f: {  	s19 =	sadd.s32 $0xB, s17;
	v59 =	vld [tilespmem:s16+$0xFFFFFFC0];
	[tilespmem:s16+$0xFFFFFE90] =	vst v7;
	v7 =	vmul.f32 v15, v2  }
0x70: {  	v9 =	vld [tilespmem:s16+$0xFFFFFF00];
	v5 =	vmov s19;
	[tilespmem:s16+$0x170] =	vst v1;
	v1 =	vmul.f32 v3, v4  }
0x71: {  	v6 =	vmul.f32 v8, v4;
	v5 =	vand.u32 $0xFFFFFFFB, v5;
	v3 =	vld [tilespmem:s16+$0xFFFFFEC0];
	v4 =	vmul.f32 v11, v4;
	[tilespmem:s16+$0xFFFFFEB0] =	vst v7  }
0x72: {  	v5 =	vbroadcast v5, $0x0;
	v7 =	vld [tilespmem:s16+$0xFFFFFF60];
	[tilespmem:s16+$0xFFFFFE20] =	vst v1  }
0x73: {  	v1 =	vld [tilespmem:s16+$0xFFFFFEE0];
	[tilespmem:s16+$0xFFFFFE70] =	vst v4;
	v4 =	vmul.f32 v14, v2  }
0x74: {  	v8 =	vld [tilespmem:s16+$0xFFFFFEF0];
	v12 =	vmul.f32 v55, v2;
	[tilespmem:s16+$0xFFFFFE50] =	vst v6  }
0x75: {  	v6 =	vld [tilespmem:s16+$0xFFFFFF10];
	[tilespmem:s16+$0xFFFFFEA0] =	vst v4;
	v4 =	vmul.f32 v9, v10  }
0x76: {  	[tilespmem:s16+$0xFFFFFED0] =	vst v12;
	v11 =	vld [tilespmem:s16+$0xFFFFFF20];
	v3 =	vmul.f32 v3, v2  }
0x77: {  	v9 =	vld [tilespmem:s16+$0xFFFFFF50];
	[tilespmem:s16+$0xFFFFFF00] =	vst v4;
	v7 =	vmul.f32 v7, v10  }
0x78: {  	s20 =	sadd.s32 $0xC, s17;
	v5 =	vld.idx.msk [tilespmem:v5+s4+$0x0], $0xffff;
	[tilespmem:s16+$0xFFFFFEC0] =	vst v3;
	v1 =	vmul.f32 v1, v2  }
0x79: {  	v4 =	vmov s20;
	v3 =	vld [tilespmem:s16+$0xFFFFFF70];
	v2 =	vmul.f32 v8, v2;
	[tilespmem:s16+$0xFFFFFF60] =	vst v7  }
0x7a: {  	v4 =	vand.u32 $0xFFFFFFFC, v4;
	v8 =	vld [tilespmem:s16+$0xFFFFFF80];
	[tilespmem:s16+$0xFFFFFEE0] =	vst v1;
	v1 =	vmul.f32 v6, v10  }
0x7b: {  	v60 =	vld [tilespmem:s16+$0x30];
	v4 =	vbroadcast v4, $0x0;
	[tilespmem:s16+$0xFFFFFEF0] =	vst v2;
	v2 =	vmul.f32 v11, v10  }
0x7c: {  	v6 =	vld [tilespmem:s16+$0xFFFFFF90];
	v9 =	vmul.f32 v9, v10;
	[tilespmem:s16+$0xFFFFFF10] =	vst v1  }
0x7d: {  	v11 =	vld [tilespmem:s16+$0xFFFFFFA0];
	v1 =	vmul.f32 v56, v10;
	[tilespmem:s16+$0xFFFFFF20] =	vst v2  }
0x7e: {  	v7 =	vld [tilespmem:s16+$0x0];
	v2 =	vmul.f32 v57, v10;
	[tilespmem:s16+$0xFFFFFF50] =	vst v9  }
0x7f: {  	v3 =	vmul.f32 v3, v10;
	v10 =	vld [tilespmem:s16+$0x10];
	[tilespmem:s16+$0xFFFFFF30] =	vst v1;
	v1 =	vmul.f32 v8, v5  }
0x80: {  	s26 =	sadd.s32 $0xD, s17;
	[tilespmem:s16+$0xFFFFFF40] =	vst v2;
	v2 =	vld [tilespmem:s16+$0xFFFFFFE0]  }
0x81: {  	v4 =	vld.idx.msk [tilespmem:v4+s4+$0x0], $0xffff;
	v6 =	vmul.f32 v6, v5;
	[tilespmem:s16+$0xFFFFFF80] =	vst v1;
	v1 =	vmov s26  }
0x82: {  	v8 =	vld [tilespmem:s16+$0xFFFFFFD0];
	[tilespmem:s16+$0xFFFFFF70] =	vst v3;
	v3 =	vmul.f32 v11, v5;
	v1 =	vand.u32 $0xFFFFFFFD, v1  }
0x83: {  	v62 =	vld [tilespmem:s16+$0xD0];
	[tilespmem:s16+$0xFFFFFF90] =	vst v6;
	v6 =	vmul.f32 v58, v5;
	v1 =	vbroadcast v1, $0x0  }
0x84: {  	v9 =	vld [tilespmem:s16+$0xFFFFFFF0];
	[tilespmem:s16+$0xFFFFFFA0] =	vst v3;
	v3 =	vmul.f32 v59, v5  }
0x85: {  	v11 =	vld [tilespmem:s16+$0x20];
	[tilespmem:s16+$0xFFFFFFB0] =	vst v6;
	v2 =	vmul.f32 v2, v5  }
0x86: {  	[tilespmem:s16+$0xFFFFFFC0] =	vst v3;
	v3 =	vmul.f32 v7, v4;
	v7 =	vld [tilespmem:s16+$0x50]  }
0x87: {  	v6 =	vmul.f32 v8, v5;
	v8 =	vld [tilespmem:s16+$0x40];
	[tilespmem:s16+$0xFFFFFFE0] =	vst v2;
	v2 =	vmul.f32 v10, v4  }
0x88: {  	[tilespmem:s16+$0x0] =	vst v3;
	v3 =	vld [tilespmem:s16+$0x70]  }
0x89: {  	[tilespmem:s16+$0x10] =	vst v2;
	v2 =	vmul.f32 v60, v4;
	v61 =	vld.idx.msk [tilespmem:v1+s4+$0x0], $0xffff  }
0x8a: {  	[tilespmem:s16+$0xFFFFFFD0] =	vst v6;
	v1 =	vmul.f32 v9, v5;
	v5 =	vld [tilespmem:s16+$0x80]  }
0x8b: {  	v6 =	vld [tilespmem:s16+$0x60];
	[tilespmem:s16+$0x30] =	vst v2;
	v2 =	vmul.f32 v7, v4  }
0x8c: {  	v9 =	vld [tilespmem:s16+$0x90];
	[tilespmem:s16+$0xFFFFFFF0] =	vst v1;
	v1 =	vmul.f32 v11, v4  }
0x8d: {  	v7 =	vld [tilespmem:s16+$0xB0];
	[tilespmem:s16+$0x50] =	vst v2;
	v3 =	vmul.f32 v3, v4  }
0x8e: {  	s17 =	sadd.s32 $0xF, s17;
	[tilespmem:s16+$0x20] =	vst v1;
	v1 =	vmul.f32 v8, v4;
	v8 =	vld [tilespmem:s16+$0xA0]  }
0x8f: {  	v63 =	vld [tilespmem:s16+$0xE0];
	v10 =	vmov s17;
	v2 =	vmul.f32 v5, v61;
	[tilespmem:s16+$0x70] =	vst v3  }
0x90: {  	v11 =	vld [tilespmem:s16+$0xC0];
	[tilespmem:s16+$0x40] =	vst v1;
	v1 =	vmul.f32 v6, v4  }
0x91: {  	v5 =	vld [tilespmem:s16+$0x110];
	v4 =	vmul.f32 v9, v61;
	[tilespmem:s16+$0x80] =	vst v2  }
0x92: {  	v9 =	vld [tilespmem:s16+$0xF0];
	v3 =	vmul.f32 v7, v61;
	[tilespmem:s16+$0x60] =	vst v1  }
0x93: {  	v6 =	vld [tilespmem:s16+$0x100];
	[tilespmem:s16+$0x90] =	vst v4;
	v2 =	vmul.f32 v8, v61  }
0x94: {  	v7 =	vmul.f32 v62, v61;
	v1 =	vld.idx.msk [tilespmem:v10+s4+$0x0], $0xffff;
	[tilespmem:s16+$0xB0] =	vst v3  }
0x95: {  	v4 =	vld [tilespmem:s16+$0x120];
	[tilespmem:s16+$0xA0] =	vst v2;
	v2 =	vmul.f32 v11, v61  }
0x96: {  	v3 =	vld [tilespmem:s16+$0x130];
	[tilespmem:s16+$0xD0] =	vst v7;
	v8 =	vmul.f32 v63, v61  }
0x97: {  	s18 =	simm.s32 $0x0;
	s17 =	simm.s32 $0x2C00;
	v7 =	vmul.f32 v9, v61;
	[tilespmem:s16+$0xC0] =	vst v2;
	v2 =	vld [tilespmem:s16+$0x140]  }
.LBB2_5:
0x98: {  	s19 =	sadd.s32 s18, s12;
	s18 =	sadd.s32 $0x8, s18;
	[tilespmem:s16+$0xE0] =	vst v8;
	v6 =	vmul.f32 v6, v0;
	v8 =	vld [tilespmem:s16+$0x150]  }
0x99: {  	s26 =	sadd.s32 $0x8, s19;
	s20 =	sadd.s32 $0xE, s19;
	p2 =	slt.u32 s18, $0x78;
	[tilespmem:s16+$0xF0] =	vst v7;
	v5 =	vmul.f32 v5, v0;
	v7 =	vld [tilespmem:s16+$0x160]  }
0x9a: {  	s11 =	sadd.s32 $0xA, s19;
	s9 =	sadd.s32 $0xB, s19;
	v9 =	vmov s26;
	s26 =	sadd.s32 $0x9, s19;
	v10 =	vmov s20;
	[tilespmem:s16+$0x100] =	vst v6;
	v4 =	vmul.f32 v4, v0;
	v6 =	vld [tilespmem:s16+$0x180]  }
0x9b: {  	v12 =	vmov s11;
	s11 =	sadd.s32 $0xC, s19;
	s20 =	sadd.s32 $0xD, s19;
	s19 =	sadd.s32 $0xF, s19;
	v11 =	vmov s26;
	v10 =	vand.u32 $0xFFFFFFFE, v10;
	[tilespmem:s16+$0x110] =	vst v5;
	v5 =	vld [tilespmem:s16+$0x190]  }
0x9c: {  	v13 =	vmov s9;
	v14 =	vmov s11;
	v10 =	vbroadcast v10, $0x0;
	[tilespmem:s16+$0x120] =	vst v4;
	v4 =	vld [tilespmem:s16+$0x1A0]  }
0x9d: {  	v9 =	vand.u32 $0xFFFFFFF8, v9;
	v15 =	vmov s20;
	v11 =	vand.u32 $0xFFFFFFF9, v11;
	v16 =	vld [tilespmem:s16+$0x1B0]  }
0x9e: {  	v12 =	vand.u32 $0xFFFFFFFA, v12;
	v13 =	vand.u32 $0xFFFFFFFB, v13;
	v14 =	vand.u32 $0xFFFFFFFC, v14;
	v17 =	vld [tilespmem:s16+$0x1C0]  }
0x9f: {  	v9 =	vbroadcast v9, $0x0;
	v15 =	vand.u32 $0xFFFFFFFD, v15;
	v11 =	vbroadcast v11, $0x0;
	v18 =	vld [tilespmem:s16+$0x1D0]  }
0xa0: {  	v19 =	vmov s19;
	v12 =	vbroadcast v12, $0x0;
	v13 =	vbroadcast v13, $0x0;
	v20 =	vld [tilespmem:s16+$0x1E0]  }
0xa1: {  	v14 =	vbroadcast v14, $0x0;
	v15 =	vbroadcast v15, $0x0;
	v21 =	vld [tilespmem:s16+$0x1F0]  }
0xa2: {  	v3 =	vmul.f32 v3, v0;
	v2 =	vmul.f32 v2, v0;
	s16 =	sadd.s32 $0x400, s16;
	v10 =	vld.idx.msk [tilespmem:v10+s4+$0x0], $0xffff  }
0xa3: {  	v8 =	vmul.f32 v8, v0;
	v0 =	vmul.f32 v7, v0;
	v22 =	vld [tilespmem:s16+$0x170]  }
0xa4: {  	v5 =	vmul.f32 v5, v1;
	v7 =	vld [tilespmem:s16+$0xFFFFFE00];
	[tilespmem:s17+$0x130] =	vst v3;
	v3 =	vmul.f32 v6, v1  }
0xa5: {  	v16 =	vmul.f32 v16, v1;
	v6 =	vld.idx.msk [tilespmem:v9+s4+$0x0], $0xffff;
	[tilespmem:s17+$0x140] =	vst v2;
	v9 =	vmul.f32 v4, v1  }
0xa6: {  	v11 =	vld.idx.msk [tilespmem:v11+s4+$0x0], $0xffff;
	[tilespmem:s17+$0x150] =	vst v8;
	v8 =	vmul.f32 v17, v1;
	v17 =	vmul.f32 v18, v1  }
0xa7: {  	v18 =	vmul.f32 v20, v1;
	v20 =	vmul.f32 v21, v1;
	v12 =	vld.idx.msk [tilespmem:v12+s4+$0x0], $0xffff;
	[tilespmem:s17+$0x160] =	vst v0  }
0xa8: {  	v0 =	vmov v10;
	v4 =	vld.idx.msk [tilespmem:v13+s4+$0x0], $0xffff;
	v1 =	vmul.f32 v22, v10;
	[tilespmem:s17+$0x180] =	vst v3  }
0xa9: {  	v3 =	vld.idx.msk [tilespmem:v14+s4+$0x0], $0xffff;
	[tilespmem:s17+$0x190] =	vst v5  }
0xaa: {  	v2 =	vld.idx.msk [tilespmem:v15+s4+$0x0], $0xffff;
	[tilespmem:s16+$0x170] =	vst v1  }
0xab: {  	v5 =	vmul.f32 v7, v6;
	v1 =	vld.idx.msk [tilespmem:v19+s4+$0x0], $0xffff;
	[tilespmem:s17+$0x1A0] =	vst v9  }
0xac: {  	v7 =	vld [tilespmem:s16+$0xFFFFFE10];
	[tilespmem:s17+$0x1B0] =	vst v16  }
0xad: {  	[tilespmem:s16+$0xFFFFFE00] =	vst v5;
	v5 =	vld [tilespmem:s16+$0xFFFFFE20]  }
0xae: {  	v9 =	vld [tilespmem:s16+$0xFFFFFE30];
	[tilespmem:s17+$0x1C0] =	vst v8  }
0xaf: {  	v8 =	vld [tilespmem:s16+$0xFFFFFE40];
	[tilespmem:s17+$0x1D0] =	vst v17  }
0xb0: {  	v10 =	vld [tilespmem:s16+$0xFFFFFE50];
	[tilespmem:s17+$0x1E0] =	vst v18  }
0xb1: {  	v7 =	vmul.f32 v7, v6;
	v13 =	vld [tilespmem:s16+$0xFFFFFE60];
	[tilespmem:s17+$0x1F0] =	vst v20;
	s17 =	smov.u32 s16  }
0xb2: {  	v5 =	vmul.f32 v5, v6;
	v14 =	vld [tilespmem:s16+$0xFFFFFE70]  }
0xb3: {  	[tilespmem:s16+$0xFFFFFE10] =	vst v7;
	v7 =	vmul.f32 v9, v6;
	v9 =	vld [tilespmem:s16+$0xFFFFFE80]  }
0xb4: {  	[tilespmem:s16+$0xFFFFFE20] =	vst v5;
	v5 =	vmul.f32 v8, v6;
	v8 =	vld [tilespmem:s16+$0xFFFFFE90]  }
0xb5: {  	[tilespmem:s16+$0xFFFFFE30] =	vst v7;
	v7 =	vmul.f32 v10, v6;
	v10 =	vld [tilespmem:s16+$0xFFFFFEA0]  }
0xb6: {  	[tilespmem:s16+$0xFFFFFE40] =	vst v5;
	v5 =	vmul.f32 v13, v6;
	v13 =	vld [tilespmem:s16+$0xFFFFFEB0]  }
0xb7: {  	[tilespmem:s16+$0xFFFFFE50] =	vst v7;
	v6 =	vmul.f32 v14, v6;
	v7 =	vld [tilespmem:s16+$0xFFFFFEC0]  }
0xb8: {  	[tilespmem:s16+$0xFFFFFE60] =	vst v5;
	v5 =	vmul.f32 v9, v11;
	v9 =	vld [tilespmem:s16+$0xFFFFFED0]  }
0xb9: {  	[tilespmem:s16+$0xFFFFFE70] =	vst v6;
	v6 =	vmul.f32 v8, v11;
	v8 =	vld [tilespmem:s16+$0xFFFFFEE0]  }
0xba: {  	[tilespmem:s16+$0xFFFFFE80] =	vst v5;
	v5 =	vmul.f32 v10, v11;
	v10 =	vld [tilespmem:s16+$0xFFFFFEF0]  }
0xbb: {  	[tilespmem:s16+$0xFFFFFE90] =	vst v6;
	v6 =	vmul.f32 v13, v11;
	v13 =	vld [tilespmem:s16+$0xFFFFFF00]  }
0xbc: {  	[tilespmem:s16+$0xFFFFFEA0] =	vst v5;
	v5 =	vmul.f32 v7, v11;
	v7 =	vld [tilespmem:s16+$0xFFFFFF10]  }
0xbd: {  	[tilespmem:s16+$0xFFFFFEB0] =	vst v6;
	v6 =	vmul.f32 v9, v11;
	v9 =	vld [tilespmem:s16+$0xFFFFFF20]  }
0xbe: {  	[tilespmem:s16+$0xFFFFFEC0] =	vst v5;
	v5 =	vmul.f32 v8, v11;
	v8 =	vld [tilespmem:s16+$0xFFFFFF30]  }
0xbf: {  	[tilespmem:s16+$0xFFFFFED0] =	vst v6;
	v6 =	vmul.f32 v10, v11;
	v10 =	vld [tilespmem:s16+$0xFFFFFF40]  }
0xc0: {  	[tilespmem:s16+$0xFFFFFEE0] =	vst v5;
	v5 =	vmul.f32 v13, v12;
	v11 =	vld [tilespmem:s16+$0xFFFFFF50]  }
0xc1: {  	[tilespmem:s16+$0xFFFFFEF0] =	vst v6;
	v6 =	vmul.f32 v7, v12;
	v7 =	vld [tilespmem:s16+$0xFFFFFF60]  }
0xc2: {  	[tilespmem:s16+$0xFFFFFF00] =	vst v5;
	v5 =	vmul.f32 v9, v12;
	v9 =	vld [tilespmem:s16+$0xFFFFFF70]  }
0xc3: {  	[tilespmem:s16+$0xFFFFFF10] =	vst v6;
	v6 =	vmul.f32 v8, v12;
	v8 =	vld [tilespmem:s16+$0xFFFFFF80]  }
0xc4: {  	[tilespmem:s16+$0xFFFFFF20] =	vst v5;
	v5 =	vmul.f32 v10, v12;
	v10 =	vld [tilespmem:s16+$0xFFFFFF90]  }
0xc5: {  	[tilespmem:s16+$0xFFFFFF30] =	vst v6;
	v6 =	vmul.f32 v11, v12;
	v11 =	vld [tilespmem:s16+$0xFFFFFFA0]  }
0xc6: {  	[tilespmem:s16+$0xFFFFFF40] =	vst v5;
	v5 =	vmul.f32 v7, v12;
	v7 =	vld [tilespmem:s16+$0xFFFFFFB0]  }
0xc7: {  	[tilespmem:s16+$0xFFFFFF50] =	vst v6;
	v6 =	vmul.f32 v9, v12;
	v9 =	vld [tilespmem:s16+$0xFFFFFFC0]  }
0xc8: {  	[tilespmem:s16+$0xFFFFFF60] =	vst v5;
	v5 =	vmul.f32 v8, v4;
	v8 =	vld [tilespmem:s16+$0xFFFFFFD0]  }
0xc9: {  	[tilespmem:s16+$0xFFFFFF70] =	vst v6;
	v6 =	vmul.f32 v10, v4;
	v10 =	vld [tilespmem:s16+$0xFFFFFFE0]  }
0xca: {  	[tilespmem:s16+$0xFFFFFF80] =	vst v5;
	v5 =	vmul.f32 v11, v4;
	v11 =	vld [tilespmem:s16+$0xFFFFFFF0]  }
0xcb: {  	[tilespmem:s16+$0xFFFFFF90] =	vst v6;
	v6 =	vmul.f32 v7, v4;
	v7 =	vld [tilespmem:s16+$0x0]  }
0xcc: {  	[tilespmem:s16+$0xFFFFFFA0] =	vst v5;
	v5 =	vmul.f32 v9, v4;
	v9 =	vld [tilespmem:s16+$0x10]  }
0xcd: {  	[tilespmem:s16+$0xFFFFFFB0] =	vst v6;
	v6 =	vmul.f32 v8, v4;
	v8 =	vld [tilespmem:s16+$0x20]  }
0xce: {  	[tilespmem:s16+$0xFFFFFFC0] =	vst v5;
	v5 =	vmul.f32 v10, v4;
	v10 =	vld [tilespmem:s16+$0x30]  }
0xcf: {  	[tilespmem:s16+$0xFFFFFFD0] =	vst v6;
	v4 =	vmul.f32 v11, v4;
	v6 =	vld [tilespmem:s16+$0x40]  }
0xd0: {  	[tilespmem:s16+$0xFFFFFFE0] =	vst v5;
	v5 =	vmul.f32 v7, v3;
	v7 =	vld [tilespmem:s16+$0x50]  }
0xd1: {  	[tilespmem:s16+$0xFFFFFFF0] =	vst v4;
	v4 =	vmul.f32 v9, v3;
	v9 =	vld [tilespmem:s16+$0x60]  }
0xd2: {  	[tilespmem:s16+$0x0] =	vst v5;
	v5 =	vmul.f32 v8, v3;
	v8 =	vld [tilespmem:s16+$0x70]  }
0xd3: {  	[tilespmem:s16+$0x10] =	vst v4;
	v4 =	vmul.f32 v10, v3;
	v10 =	vld [tilespmem:s16+$0x80]  }
0xd4: {  	[tilespmem:s16+$0x20] =	vst v5;
	v5 =	vmul.f32 v6, v3;
	v6 =	vld [tilespmem:s16+$0x90]  }
0xd5: {  	[tilespmem:s16+$0x30] =	vst v4;
	v4 =	vmul.f32 v7, v3;
	v7 =	vld [tilespmem:s16+$0xA0]  }
0xd6: {  	[tilespmem:s16+$0x40] =	vst v5;
	v5 =	vmul.f32 v9, v3;
	v9 =	vld [tilespmem:s16+$0xB0]  }
0xd7: {  	[tilespmem:s16+$0x50] =	vst v4;
	v3 =	vmul.f32 v8, v3;
	v4 =	vld [tilespmem:s16+$0xC0]  }
0xd8: {  	[tilespmem:s16+$0x60] =	vst v5;
	v5 =	vmul.f32 v10, v2;
	v8 =	vld [tilespmem:s16+$0xD0]  }
0xd9: {  	[tilespmem:s16+$0x70] =	vst v3;
	v3 =	vmul.f32 v6, v2;
	v10 =	vld [tilespmem:s16+$0xE0]  }
0xda: {  	[tilespmem:s16+$0x80] =	vst v5;
	v5 =	vmul.f32 v7, v2;
	v7 =	vld [tilespmem:s16+$0xF0]  }
.Ltmp3:
0xdb: {  	[tilespmem:s16+$0x90] =	vst v3;
	v3 =	vmul.f32 v9, v2;
	v6 =	vld [tilespmem:s16+$0x100];
	(pc) =	sbr.rel @p2 .LBB2_5-.Ltmp3, $4  }
0xdc: {  	[tilespmem:s16+$0xA0] =	vst v5;
	v9 =	vmul.f32 v4, v2;
	v5 =	vld [tilespmem:s16+$0x110]  }
0xdd: {  	[tilespmem:s16+$0xB0] =	vst v3;
	v11 =	vmul.f32 v8, v2;
	v4 =	vld [tilespmem:s16+$0x120]  }
0xde: {  	[tilespmem:s16+$0xC0] =	vst v9;
	v8 =	vmul.f32 v10, v2;
	v3 =	vld [tilespmem:s16+$0x130]  }
0xdf: {  	[tilespmem:s16+$0xD0] =	vst v11;
	v7 =	vmul.f32 v7, v2;
	v2 =	vld [tilespmem:s16+$0x140]  }
0xe0: {  	v9 =	vld [tilespmem:s16+$0x150];
	[tilespmem:s16+$0xE0] =	vst v8;
	v6 =	vmul.f32 v6, v0  }
0xe1: {  	v8 =	vld [tilespmem:s16+$0x160];
	[tilespmem:s16+$0xF0] =	vst v7;
	v5 =	vmul.f32 v5, v0  }
0xe2: {  	v7 =	vld [tilespmem:s16+$0x180];
	[tilespmem:s16+$0x100] =	vst v6;
	v4 =	vmul.f32 v4, v0  }
0xe3: {  	v6 =	vld [tilespmem:s16+$0x190];
	[tilespmem:s16+$0x110] =	vst v5;
	v3 =	vmul.f32 v3, v0  }
0xe4: {  	v5 =	vld [tilespmem:s16+$0x1A0];
	[tilespmem:s16+$0x120] =	vst v4;
	v2 =	vmul.f32 v2, v0  }
0xe5: {  	v10 =	vld [tilespmem:s16+$0x1C0];
	v9 =	vmul.f32 v9, v0;
	[tilespmem:s17+$0x130] =	vst v3  }
0xe6: {  	v4 =	vld [tilespmem:s16+$0x1B0];
	v0 =	vmul.f32 v8, v0;
	[tilespmem:s17+$0x140] =	vst v2  }
0xe7: {  	v3 =	vld [tilespmem:s16+$0x1D0];
	v7 =	vmul.f32 v7, v1;
	[tilespmem:s17+$0x150] =	vst v9  }
0xe8: {  	v2 =	vld [tilespmem:s16+$0x1E0];
	v6 =	vmul.f32 v6, v1;
	[tilespmem:s17+$0x160] =	vst v0  }
0xe9: {  	v8 =	vld [tilespmem:s16+$0x1F0];
	v0 =	vmul.f32 v5, v1;
	[tilespmem:s17+$0x180] =	vst v7  }
0xea: {  	v5 =	vmul.f32 v10, v1;
	[tilespmem:s17+$0x190] =	vst v6  }
0xeb: {  	v4 =	vmul.f32 v4, v1;
	[tilespmem:s17+$0x1A0] =	vst v0  }
0xec: {  	v0 =	vmul.f32 v3, v1;
	[tilespmem:s17+$0x1C0] =	vst v5  }
0xed: {  	[tilespmem:s17+$0x1B0] =	vst v4;
	v2 =	vmul.f32 v2, v1  }
0xee: {  	v1 =	vmul.f32 v8, v1;
	[tilespmem:s17+$0x1D0] =	vst v0  }
0xef: {  	[tilespmem:s17+$0x1E0] =	vst v2  }
0xf0: {  	[tilespmem:s17+$0x1F0] =	vst v1  }
0xf1: {  	_ =	swait.ge [sflag:s0], $0x80  }
0xf2: {  	[sflag:s0] =	ssyncset.done $0x0  }
0xf3: {  	[sflag:s0] =	ssyncadd.s32 $0xFFFFFF80  }
0xf4: {  	[spmem:s3] =	stream.indirect.scatter.add.f32 [tilespmem:s29], [sflag:$0x7], $0x80, s24, s28, $0xb8;
	[tilespmem:$0x1E280] =	vst v63  }
0xf5: {  	_ =	swait.ge [sflag:s21], $0x4000  }
0xf6: {  	s9 =	sadd.s32 @!p1 s7, s15;
	s11 =	simm.s32 @!p1 $0x0;
	[sflag:s21] =	ssyncset.done $0x0  }
0xf7: {  	s15 =	simm.s32 @!p1 $0x2900;
	s14 =	sadd.s32 $0x3, s14;
	[sflag:s21] =	ssyncadd.s32 $0xFFFFC000  }
0xf8: {  	[tilespmem:s15], [sflag:$0x5] =	stream.linear.gather @!p1 [hbm4b:s9+s11], $0x80, $0x38;
	[tilespmem:$0x1E280] =	vst v63  }
0xf9: {  	s16 =	sadd.s32 $0xFFFFFFF8, s12;
	s9 =	sshll.u32 @!p1 s14, $0x7  }
0xfa: {  	s20 =	sadd.s32 $0x88, s16;
	_ =	swait.ge [sflag:s8], $0x4000;
	s9 =	sadd.s32 @!p1 s5, s9  }
0xfb: {  	s26 =	sadd.s32 $0x8E, s16;
	[sflag:s8] =	ssyncset.done $0x0;
	s9 =	sshrl.u32 @!p1 s9, $0x3  }
0xfc: {  	s15 =	simm.s32 @!p1 $0x2880;
	[sflag:s8] =	ssyncadd.s32 $0xFFFFC000;
	s9 =	sadd.s32 @!p1 s6, s9  }
0xfd: {  	v0 =	vmov s20;
	[tilespmem:s15], [sflag:$0x4] =	stream.linear.gather @!p1 [hbm4b:s9+s11], $0x80, $0x38;
	[tilespmem:$0x1E280] =	vst v63  }
0xfe: {  	v0 =	vand.u32 $0xFFFFFFF8, v0;
	v1 =	vmov s26;
	s11 =	simm.s32 @!p1 $0x3  }
0xff: {  	v0 =	vbroadcast v0, $0x0;
	v1 =	vand.u32 $0xFFFFFFFE, v1;
	_ =	swait.ge @!p1 [sflag:s11], $0x80  }
0x100: {  	s17 =	simm.s32 @!p1 $0x2A00;
	v1 =	vbroadcast v1, $0x0;
	[sflag:s11] =	ssyncset.done @!p1 $0x0  }
0x101: {  	s15 =	simm.s32 @!p1 $0x2800;
	[sflag:s11] =	ssyncadd.s32 @!p1 $0xFFFFFF80;
	s11 =	simm.s32 @!p1 $0x80  }
0x102: {  	[tilespmem:s17], [sflag:$0x1] =	stream.indirect.gather @!p1 [hbm4b:s1+s11], $0x80, s15, s11, $0xb8;
	[tilespmem:$0x1E280] =	vst v63  }
0x103: {  	s15 =	simm.s32 $0x6C00  }
0x104: {  	v3 =	vld [tilespmem:s15+$0xFFFFFE00]  }
0x105: {  	v4 =	vld.idx.msk [tilespmem:v0+s4+$0x0], $0xffff  }
0x106: {  	v0 =	vld.idx.msk [tilespmem:v1+s4+$0x0], $0xffff  }
0x107: {  	v1 =	vld [tilespmem:s15+$0x170]  }
0x108: {  	v5 =	vld [tilespmem:s15+$0xFFFFFE10]  }
0x109: {  	v6 =	vld [tilespmem:s15+$0xFFFFFE30]  }
0x10a: {  	v7 =	vld [tilespmem:s15+$0xFFFFFE40]  }
0x10b: {  	v8 =	vld [tilespmem:s15+$0xFFFFFE50]  }
0x10c: {  	s11 =	sadd.s32 $0x89, s16;
	v9 =	vld [tilespmem:s15+$0xFFFFFE60]  }
0x10d: {  	v2 =	vmov s11;
	v11 =	vld [tilespmem:s15+$0xFFFFFE70]  }
0x10e: {  	v12 =	vld [tilespmem:s15+$0xFFFFFE80];
	v2 =	vand.u32 $0xFFFFFFF9, v2  }
0x10f: {  	v13 =	vld [tilespmem:s15+$0xFFFFFE90];
	v2 =	vbroadcast v2, $0x0  }
0x110: {  	v14 =	vld [tilespmem:s15+$0xFFFFFEA0]  }
0x111: {  	s17 =	sadd.s32 $0x8A, s16;
	v15 =	vld [tilespmem:s15+$0xFFFFFEB0];
	v3 =	vmul.f32 v3, v4  }
0x112: {  	v10 =	vmov s17;
	v55 =	vld [tilespmem:s15+$0xFFFFFED0];
	v1 =	vmul.f32 v1, v0  }
0x113: {  	v10 =	vand.u32 $0xFFFFFFFA, v10;
	v5 =	vmul.f32 v5, v4;
	[tilespmem:s15+$0xFFFFFE00] =	vst v3;
	v3 =	vld [tilespmem:s15+$0xFFFFFE20]  }
0x114: {  	v56 =	vld [tilespmem:s15+$0xFFFFFF30];
	v10 =	vbroadcast v10, $0x0;
	v6 =	vmul.f32 v6, v4;
	[tilespmem:s15+$0x170] =	vst v1  }
0x115: {  	v7 =	vmul.f32 v7, v4;
	[tilespmem:s15+$0xFFFFFE10] =	vst v5;
	v2 =	vld.idx.msk [tilespmem:v2+s4+$0x0], $0xffff  }
0x116: {  	v57 =	vld [tilespmem:s15+$0xFFFFFF40];
	[tilespmem:s15+$0xFFFFFE30] =	vst v6;
	v6 =	vmul.f32 v8, v4  }
0x117: {  	v58 =	vld [tilespmem:s15+$0xFFFFFFB0];
	[tilespmem:s15+$0xFFFFFE40] =	vst v7;
	v7 =	vmul.f32 v9, v4  }
0x118: {  	v59 =	vld [tilespmem:s15+$0xFFFFFFC0];
	[tilespmem:s15+$0xFFFFFE50] =	vst v6;
	v1 =	vmul.f32 v3, v4  }
0x119: {  	v9 =	vld [tilespmem:s15+$0xFFFFFF00];
	[tilespmem:s15+$0xFFFFFE60] =	vst v7;
	v4 =	vmul.f32 v11, v4  }
0x11a: {  	v10 =	vld.idx.msk [tilespmem:v10+s4+$0x0], $0xffff;
	v5 =	vmul.f32 v12, v2;
	[tilespmem:s15+$0xFFFFFE20] =	vst v1  }
0x11b: {  	s18 =	sadd.s32 $0x8B, s16;
	v3 =	vld [tilespmem:s15+$0xFFFFFEC0];
	v7 =	vmul.f32 v13, v2;
	[tilespmem:s15+$0xFFFFFE70] =	vst v4  }
0x11c: {  	v12 =	vmul.f32 v55, v2;
	v1 =	vld [tilespmem:s15+$0xFFFFFEE0];
	[tilespmem:s15+$0xFFFFFE80] =	vst v5;
	v5 =	vmov s18  }
0x11d: {  	v8 =	vld [tilespmem:s15+$0xFFFFFEF0];
	v4 =	vmul.f32 v14, v2;
	[tilespmem:s15+$0xFFFFFE90] =	vst v7;
	v5 =	vand.u32 $0xFFFFFFFB, v5  }
0x11e: {  	v6 =	vld [tilespmem:s15+$0xFFFFFF10];
	v7 =	vmul.f32 v15, v2;
	[tilespmem:s15+$0xFFFFFED0] =	vst v12;
	v5 =	vbroadcast v5, $0x0  }
0x11f: {  	v11 =	vld [tilespmem:s15+$0xFFFFFF20];
	[tilespmem:s15+$0xFFFFFEA0] =	vst v4;
	v4 =	vmul.f32 v9, v10  }
0x120: {  	v9 =	vld [tilespmem:s15+$0xFFFFFF50];
	v3 =	vmul.f32 v3, v2;
	[tilespmem:s15+$0xFFFFFEB0] =	vst v7  }
0x121: {  	v7 =	vld [tilespmem:s15+$0xFFFFFF60];
	[tilespmem:s15+$0xFFFFFF00] =	vst v4;
	v1 =	vmul.f32 v1, v2  }
0x122: {  	s19 =	sadd.s32 $0x8C, s16;
	[tilespmem:s15+$0xFFFFFEC0] =	vst v3;
	v3 =	vld [tilespmem:s15+$0xFFFFFF70];
	v2 =	vmul.f32 v8, v2  }
0x123: {  	v4 =	vmov s19;
	v8 =	vld [tilespmem:s15+$0xFFFFFF80];
	[tilespmem:s15+$0xFFFFFEE0] =	vst v1;
	v1 =	vmul.f32 v6, v10  }
0x124: {  	v4 =	vand.u32 $0xFFFFFFFC, v4;
	[tilespmem:s15+$0xFFFFFEF0] =	vst v2;
	v2 =	vmul.f32 v11, v10;
	v5 =	vld.idx.msk [tilespmem:v5+s4+$0x0], $0xffff  }
0x125: {  	v60 =	vld [tilespmem:s15+$0x30];
	v4 =	vbroadcast v4, $0x0;
	v9 =	vmul.f32 v9, v10;
	[tilespmem:s15+$0xFFFFFF10] =	vst v1  }
0x126: {  	v6 =	vld [tilespmem:s15+$0xFFFFFF90];
	v7 =	vmul.f32 v7, v10;
	[tilespmem:s15+$0xFFFFFF20] =	vst v2  }
0x127: {  	v11 =	vld [tilespmem:s15+$0xFFFFFFA0];
	v1 =	vmul.f32 v56, v10;
	[tilespmem:s15+$0xFFFFFF50] =	vst v9  }
0x128: {  	v2 =	vmul.f32 v57, v10;
	[tilespmem:s15+$0xFFFFFF60] =	vst v7;
	v7 =	vld [tilespmem:s15+$0x0]  }
0x129: {  	v3 =	vmul.f32 v3, v10;
	v10 =	vld [tilespmem:s15+$0x10];
	[tilespmem:s15+$0xFFFFFF30] =	vst v1;
	v1 =	vmul.f32 v8, v5  }
0x12a: {  	s20 =	sadd.s32 $0x8D, s16;
	[tilespmem:s15+$0xFFFFFF40] =	vst v2;
	v2 =	vld [tilespmem:s15+$0xFFFFFFE0]  }
0x12b: {  	v4 =	vld.idx.msk [tilespmem:v4+s4+$0x0], $0xffff;
	v6 =	vmul.f32 v6, v5;
	[tilespmem:s15+$0xFFFFFF80] =	vst v1;
	v1 =	vmov s20  }
0x12c: {  	[tilespmem:s15+$0xFFFFFF70] =	vst v3;
	v8 =	vld [tilespmem:s15+$0xFFFFFFD0];
	v3 =	vmul.f32 v11, v5;
	v1 =	vand.u32 $0xFFFFFFFD, v1  }
0x12d: {  	v62 =	vld [tilespmem:s15+$0xD0];
	[tilespmem:s15+$0xFFFFFF90] =	vst v6;
	v6 =	vmul.f32 v58, v5;
	v1 =	vbroadcast v1, $0x0  }
0x12e: {  	v9 =	vld [tilespmem:s15+$0xFFFFFFF0];
	[tilespmem:s15+$0xFFFFFFA0] =	vst v3;
	v3 =	vmul.f32 v59, v5  }
0x12f: {  	v11 =	vld [tilespmem:s15+$0x20];
	v2 =	vmul.f32 v2, v5;
	[tilespmem:s15+$0xFFFFFFB0] =	vst v6  }
0x130: {  	[tilespmem:s15+$0xFFFFFFC0] =	vst v3;
	v3 =	vmul.f32 v7, v4;
	v7 =	vld [tilespmem:s15+$0x50]  }
0x131: {  	[tilespmem:s15+$0xFFFFFFE0] =	vst v2;
	v2 =	vmul.f32 v10, v4;
	v6 =	vmul.f32 v8, v5;
	v8 =	vld [tilespmem:s15+$0x40]  }
0x132: {  	[tilespmem:s15+$0x0] =	vst v3;
	v3 =	vld [tilespmem:s15+$0x70]  }
0x133: {  	[tilespmem:s15+$0x10] =	vst v2;
	v2 =	vmul.f32 v60, v4;
	v61 =	vld.idx.msk [tilespmem:v1+s4+$0x0], $0xffff  }
0x134: {  	[tilespmem:s15+$0xFFFFFFD0] =	vst v6;
	v1 =	vmul.f32 v9, v5;
	v5 =	vld [tilespmem:s15+$0x80]  }
0x135: {  	[tilespmem:s15+$0x30] =	vst v2;
	v2 =	vmul.f32 v7, v4;
	v7 =	vld [tilespmem:s15+$0xB0]  }
0x136: {  	v6 =	vld [tilespmem:s15+$0x60];
	[tilespmem:s15+$0xFFFFFFF0] =	vst v1;
	v1 =	vmul.f32 v11, v4  }
0x137: {  	v9 =	vld [tilespmem:s15+$0x90];
	[tilespmem:s15+$0x50] =	vst v2;
	v3 =	vmul.f32 v3, v4  }
0x138: {  	[tilespmem:s15+$0x20] =	vst v1;
	v1 =	vmul.f32 v8, v4;
	v8 =	vld [tilespmem:s15+$0xA0]  }
0x139: {  	v63 =	vld [tilespmem:s15+$0xE0];
	[tilespmem:s15+$0x70] =	vst v3;
	v2 =	vmul.f32 v5, v61  }
0x13a: {  	s26 =	sadd.s32 $0x8F, s16;
	v11 =	vld [tilespmem:s15+$0xC0];
	v3 =	vmul.f32 v7, v61;
	[tilespmem:s15+$0x40] =	vst v1  }
0x13b: {  	v10 =	vmov s26;
	v5 =	vld [tilespmem:s15+$0x110];
	v7 =	vmul.f32 v62, v61;
	[tilespmem:s15+$0x80] =	vst v2  }
0x13c: {  	v1 =	vmul.f32 v6, v4;
	v4 =	vmul.f32 v9, v61;
	v9 =	vld [tilespmem:s15+$0xF0];
	[tilespmem:s15+$0xB0] =	vst v3  }
0x13d: {  	v6 =	vld [tilespmem:s15+$0x100];
	[tilespmem:s15+$0xD0] =	vst v7;
	v2 =	vmul.f32 v8, v61  }
0x13e: {  	v3 =	vld [tilespmem:s15+$0x130];
	[tilespmem:s15+$0x90] =	vst v4  }
0x13f: {  	v4 =	vld [tilespmem:s15+$0x120];
	[tilespmem:s15+$0xA0] =	vst v2;
	v2 =	vmul.f32 v11, v61  }
0x140: {  	[tilespmem:s15+$0x60] =	vst v1;
	v1 =	vld.idx.msk [tilespmem:v10+s4+$0x0], $0xffff;
	v8 =	vmul.f32 v63, v61  }
0x141: {  	s16 =	simm.s32 $0x6C00;
	s17 =	simm.s32 $0x0;
	v7 =	vmul.f32 v9, v61;
	[tilespmem:s15+$0xC0] =	vst v2;
	v2 =	vld [tilespmem:s15+$0x140]  }
.LBB2_7:
0x142: {  	s9 =	sadd.s32 s17, s12;
	s17 =	sadd.s32 $0x8, s17;
	[tilespmem:s15+$0xE0] =	vst v8;
	v6 =	vmul.f32 v6, v0;
	v8 =	vld [tilespmem:s15+$0x150]  }
0x143: {  	s11 =	sadd.s32 $0x88, s9;
	s18 =	sadd.s32 $0x8E, s9;
	p2 =	slt.u32 s17, $0x78;
	[tilespmem:s15+$0xF0] =	vst v7;
	v5 =	vmul.f32 v5, v0;
	v7 =	vld [tilespmem:s15+$0x160]  }
0x144: {  	s19 =	sadd.s32 $0x8A, s9;
	s20 =	sadd.s32 $0x8B, s9;
	v9 =	vmov s11;
	s11 =	sadd.s32 $0x89, s9;
	v10 =	vmov s18;
	[tilespmem:s15+$0x100] =	vst v6;
	v4 =	vmul.f32 v4, v0;
	v6 =	vld [tilespmem:s15+$0x180]  }
0x145: {  	v12 =	vmov s19;
	s18 =	sadd.s32 $0x8D, s9;
	v11 =	vmov s11;
	s11 =	sadd.s32 $0x8C, s9;
	v10 =	vand.u32 $0xFFFFFFFE, v10;
	s9 =	sadd.s32 $0x8F, s9;
	[tilespmem:s15+$0x110] =	vst v5;
	v5 =	vld [tilespmem:s15+$0x190]  }
0x146: {  	v13 =	vmov s20;
	v14 =	vmov s11;
	v10 =	vbroadcast v10, $0x0;
	[tilespmem:s15+$0x120] =	vst v4;
	v4 =	vld [tilespmem:s15+$0x1A0]  }
0x147: {  	v9 =	vand.u32 $0xFFFFFFF8, v9;
	v15 =	vmov s18;
	v11 =	vand.u32 $0xFFFFFFF9, v11;
	v16 =	vld [tilespmem:s15+$0x1B0]  }
0x148: {  	v12 =	vand.u32 $0xFFFFFFFA, v12;
	v13 =	vand.u32 $0xFFFFFFFB, v13;
	v14 =	vand.u32 $0xFFFFFFFC, v14;
	v17 =	vld [tilespmem:s15+$0x1C0]  }
0x149: {  	v9 =	vbroadcast v9, $0x0;
	v15 =	vand.u32 $0xFFFFFFFD, v15;
	v11 =	vbroadcast v11, $0x0;
	v18 =	vld [tilespmem:s15+$0x1D0]  }
0x14a: {  	v12 =	vbroadcast v12, $0x0;
	v13 =	vbroadcast v13, $0x0;
	v19 =	vmov s9;
	v20 =	vld [tilespmem:s15+$0x1E0]  }
0x14b: {  	v15 =	vbroadcast v15, $0x0;
	v14 =	vbroadcast v14, $0x0;
	v21 =	vld [tilespmem:s15+$0x1F0]  }
0x14c: {  	v3 =	vmul.f32 v3, v0;
	v2 =	vmul.f32 v2, v0;
	s15 =	sadd.s32 $0x400, s15;
	v10 =	vld.idx.msk [tilespmem:v10+s4+$0x0], $0xffff  }
0x14d: {  	v8 =	vmul.f32 v8, v0;
	v0 =	vmul.f32 v7, v0;
	v22 =	vld [tilespmem:s15+$0x170]  }
0x14e: {  	v5 =	vmul.f32 v5, v1;
	v7 =	vld [tilespmem:s15+$0xFFFFFE00];
	[tilespmem:s16+$0x130] =	vst v3;
	v3 =	vmul.f32 v6, v1  }
0x14f: {  	v16 =	vmul.f32 v16, v1;
	v6 =	vld.idx.msk [tilespmem:v9+s4+$0x0], $0xffff;
	[tilespmem:s16+$0x140] =	vst v2;
	v9 =	vmul.f32 v4, v1  }
0x150: {  	v11 =	vld.idx.msk [tilespmem:v11+s4+$0x0], $0xffff;
	[tilespmem:s16+$0x150] =	vst v8;
	v8 =	vmul.f32 v17, v1;
	v17 =	vmul.f32 v18, v1  }
0x151: {  	v18 =	vmul.f32 v20, v1;
	v20 =	vmul.f32 v21, v1;
	v12 =	vld.idx.msk [tilespmem:v12+s4+$0x0], $0xffff;
	[tilespmem:s16+$0x160] =	vst v0  }
0x152: {  	v0 =	vmov v10;
	v4 =	vld.idx.msk [tilespmem:v13+s4+$0x0], $0xffff;
	v1 =	vmul.f32 v22, v10;
	[tilespmem:s16+$0x180] =	vst v3  }
0x153: {  	v3 =	vld.idx.msk [tilespmem:v14+s4+$0x0], $0xffff;
	[tilespmem:s16+$0x190] =	vst v5  }
0x154: {  	v2 =	vld.idx.msk [tilespmem:v15+s4+$0x0], $0xffff;
	[tilespmem:s15+$0x170] =	vst v1  }
0x155: {  	v5 =	vmul.f32 v7, v6;
	v1 =	vld.idx.msk [tilespmem:v19+s4+$0x0], $0xffff;
	[tilespmem:s16+$0x1A0] =	vst v9  }
0x156: {  	v7 =	vld [tilespmem:s15+$0xFFFFFE10];
	[tilespmem:s16+$0x1B0] =	vst v16  }
0x157: {  	[tilespmem:s15+$0xFFFFFE00] =	vst v5;
	v5 =	vld [tilespmem:s15+$0xFFFFFE20]  }
0x158: {  	v9 =	vld [tilespmem:s15+$0xFFFFFE30];
	[tilespmem:s16+$0x1C0] =	vst v8  }
0x159: {  	v8 =	vld [tilespmem:s15+$0xFFFFFE40];
	[tilespmem:s16+$0x1D0] =	vst v17  }
0x15a: {  	v10 =	vld [tilespmem:s15+$0xFFFFFE50];
	[tilespmem:s16+$0x1E0] =	vst v18  }
0x15b: {  	v7 =	vmul.f32 v7, v6;
	v13 =	vld [tilespmem:s15+$0xFFFFFE60];
	[tilespmem:s16+$0x1F0] =	vst v20;
	s16 =	smov.u32 s15  }
0x15c: {  	v5 =	vmul.f32 v5, v6;
	v14 =	vld [tilespmem:s15+$0xFFFFFE70]  }
0x15d: {  	[tilespmem:s15+$0xFFFFFE10] =	vst v7;
	v7 =	vmul.f32 v9, v6;
	v9 =	vld [tilespmem:s15+$0xFFFFFE80]  }
0x15e: {  	[tilespmem:s15+$0xFFFFFE20] =	vst v5;
	v5 =	vmul.f32 v8, v6;
	v8 =	vld [tilespmem:s15+$0xFFFFFE90]  }
0x15f: {  	[tilespmem:s15+$0xFFFFFE30] =	vst v7;
	v7 =	vmul.f32 v10, v6;
	v10 =	vld [tilespmem:s15+$0xFFFFFEA0]  }
0x160: {  	[tilespmem:s15+$0xFFFFFE40] =	vst v5;
	v5 =	vmul.f32 v13, v6;
	v13 =	vld [tilespmem:s15+$0xFFFFFEB0]  }
0x161: {  	[tilespmem:s15+$0xFFFFFE50] =	vst v7;
	v6 =	vmul.f32 v14, v6;
	v7 =	vld [tilespmem:s15+$0xFFFFFEC0]  }
0x162: {  	[tilespmem:s15+$0xFFFFFE60] =	vst v5;
	v5 =	vmul.f32 v9, v11;
	v9 =	vld [tilespmem:s15+$0xFFFFFED0]  }
0x163: {  	[tilespmem:s15+$0xFFFFFE70] =	vst v6;
	v6 =	vmul.f32 v8, v11;
	v8 =	vld [tilespmem:s15+$0xFFFFFEE0]  }
0x164: {  	[tilespmem:s15+$0xFFFFFE80] =	vst v5;
	v5 =	vmul.f32 v10, v11;
	v10 =	vld [tilespmem:s15+$0xFFFFFEF0]  }
0x165: {  	[tilespmem:s15+$0xFFFFFE90] =	vst v6;
	v6 =	vmul.f32 v13, v11;
	v13 =	vld [tilespmem:s15+$0xFFFFFF00]  }
0x166: {  	[tilespmem:s15+$0xFFFFFEA0] =	vst v5;
	v5 =	vmul.f32 v7, v11;
	v7 =	vld [tilespmem:s15+$0xFFFFFF10]  }
0x167: {  	[tilespmem:s15+$0xFFFFFEB0] =	vst v6;
	v6 =	vmul.f32 v9, v11;
	v9 =	vld [tilespmem:s15+$0xFFFFFF20]  }
0x168: {  	[tilespmem:s15+$0xFFFFFEC0] =	vst v5;
	v5 =	vmul.f32 v8, v11;
	v8 =	vld [tilespmem:s15+$0xFFFFFF30]  }
0x169: {  	[tilespmem:s15+$0xFFFFFED0] =	vst v6;
	v6 =	vmul.f32 v10, v11;
	v10 =	vld [tilespmem:s15+$0xFFFFFF40]  }
0x16a: {  	[tilespmem:s15+$0xFFFFFEE0] =	vst v5;
	v5 =	vmul.f32 v13, v12;
	v11 =	vld [tilespmem:s15+$0xFFFFFF50]  }
0x16b: {  	[tilespmem:s15+$0xFFFFFEF0] =	vst v6;
	v6 =	vmul.f32 v7, v12;
	v7 =	vld [tilespmem:s15+$0xFFFFFF60]  }
0x16c: {  	[tilespmem:s15+$0xFFFFFF00] =	vst v5;
	v5 =	vmul.f32 v9, v12;
	v9 =	vld [tilespmem:s15+$0xFFFFFF70]  }
0x16d: {  	[tilespmem:s15+$0xFFFFFF10] =	vst v6;
	v6 =	vmul.f32 v8, v12;
	v8 =	vld [tilespmem:s15+$0xFFFFFF80]  }
0x16e: {  	[tilespmem:s15+$0xFFFFFF20] =	vst v5;
	v5 =	vmul.f32 v10, v12;
	v10 =	vld [tilespmem:s15+$0xFFFFFF90]  }
0x16f: {  	[tilespmem:s15+$0xFFFFFF30] =	vst v6;
	v6 =	vmul.f32 v11, v12;
	v11 =	vld [tilespmem:s15+$0xFFFFFFA0]  }
0x170: {  	[tilespmem:s15+$0xFFFFFF40] =	vst v5;
	v5 =	vmul.f32 v7, v12;
	v7 =	vld [tilespmem:s15+$0xFFFFFFB0]  }
0x171: {  	[tilespmem:s15+$0xFFFFFF50] =	vst v6;
	v6 =	vmul.f32 v9, v12;
	v9 =	vld [tilespmem:s15+$0xFFFFFFC0]  }
0x172: {  	[tilespmem:s15+$0xFFFFFF60] =	vst v5;
	v5 =	vmul.f32 v8, v4;
	v8 =	vld [tilespmem:s15+$0xFFFFFFD0]  }
0x173: {  	[tilespmem:s15+$0xFFFFFF70] =	vst v6;
	v6 =	vmul.f32 v10, v4;
	v10 =	vld [tilespmem:s15+$0xFFFFFFE0]  }
0x174: {  	[tilespmem:s15+$0xFFFFFF80] =	vst v5;
	v5 =	vmul.f32 v11, v4;
	v11 =	vld [tilespmem:s15+$0xFFFFFFF0]  }
0x175: {  	[tilespmem:s15+$0xFFFFFF90] =	vst v6;
	v6 =	vmul.f32 v7, v4;
	v7 =	vld [tilespmem:s15+$0x0]  }
0x176: {  	[tilespmem:s15+$0xFFFFFFA0] =	vst v5;
	v5 =	vmul.f32 v9, v4;
	v9 =	vld [tilespmem:s15+$0x10]  }
0x177: {  	[tilespmem:s15+$0xFFFFFFB0] =	vst v6;
	v6 =	vmul.f32 v8, v4;
	v8 =	vld [tilespmem:s15+$0x20]  }
0x178: {  	[tilespmem:s15+$0xFFFFFFC0] =	vst v5;
	v5 =	vmul.f32 v10, v4;
	v10 =	vld [tilespmem:s15+$0x30]  }
0x179: {  	[tilespmem:s15+$0xFFFFFFD0] =	vst v6;
	v4 =	vmul.f32 v11, v4;
	v6 =	vld [tilespmem:s15+$0x40]  }
0x17a: {  	[tilespmem:s15+$0xFFFFFFE0] =	vst v5;
	v5 =	vmul.f32 v7, v3;
	v7 =	vld [tilespmem:s15+$0x50]  }
0x17b: {  	[tilespmem:s15+$0xFFFFFFF0] =	vst v4;
	v4 =	vmul.f32 v9, v3;
	v9 =	vld [tilespmem:s15+$0x60]  }
0x17c: {  	[tilespmem:s15+$0x0] =	vst v5;
	v5 =	vmul.f32 v8, v3;
	v8 =	vld [tilespmem:s15+$0x70]  }
0x17d: {  	[tilespmem:s15+$0x10] =	vst v4;
	v4 =	vmul.f32 v10, v3;
	v10 =	vld [tilespmem:s15+$0x80]  }
0x17e: {  	[tilespmem:s15+$0x20] =	vst v5;
	v5 =	vmul.f32 v6, v3;
	v6 =	vld [tilespmem:s15+$0x90]  }
0x17f: {  	[tilespmem:s15+$0x30] =	vst v4;
	v4 =	vmul.f32 v7, v3;
	v7 =	vld [tilespmem:s15+$0xA0]  }
0x180: {  	[tilespmem:s15+$0x40] =	vst v5;
	v5 =	vmul.f32 v9, v3;
	v9 =	vld [tilespmem:s15+$0xB0]  }
0x181: {  	[tilespmem:s15+$0x50] =	vst v4;
	v3 =	vmul.f32 v8, v3;
	v4 =	vld [tilespmem:s15+$0xC0]  }
0x182: {  	[tilespmem:s15+$0x60] =	vst v5;
	v5 =	vmul.f32 v10, v2;
	v8 =	vld [tilespmem:s15+$0xD0]  }
0x183: {  	[tilespmem:s15+$0x70] =	vst v3;
	v3 =	vmul.f32 v6, v2;
	v10 =	vld [tilespmem:s15+$0xE0]  }
0x184: {  	[tilespmem:s15+$0x80] =	vst v5;
	v5 =	vmul.f32 v7, v2;
	v7 =	vld [tilespmem:s15+$0xF0]  }
.Ltmp4:
0x185: {  	[tilespmem:s15+$0x90] =	vst v3;
	v3 =	vmul.f32 v9, v2;
	v6 =	vld [tilespmem:s15+$0x100];
	(pc) =	sbr.rel @p2 .LBB2_7-.Ltmp4, $4  }
0x186: {  	[tilespmem:s15+$0xA0] =	vst v5;
	v9 =	vmul.f32 v4, v2;
	v5 =	vld [tilespmem:s15+$0x110]  }
0x187: {  	[tilespmem:s15+$0xB0] =	vst v3;
	v11 =	vmul.f32 v8, v2;
	v4 =	vld [tilespmem:s15+$0x120]  }
0x188: {  	[tilespmem:s15+$0xC0] =	vst v9;
	v8 =	vmul.f32 v10, v2;
	v3 =	vld [tilespmem:s15+$0x130]  }
0x189: {  	[tilespmem:s15+$0xD0] =	vst v11;
	v7 =	vmul.f32 v7, v2;
	v2 =	vld [tilespmem:s15+$0x140]  }
0x18a: {  	v9 =	vld [tilespmem:s15+$0x150];
	[tilespmem:s15+$0xE0] =	vst v8;
	v6 =	vmul.f32 v6, v0  }
0x18b: {  	v51 =	vld [tilespmem:s15+$0x160];
	[tilespmem:s15+$0xF0] =	vst v7;
	v5 =	vmul.f32 v5, v0  }
0x18c: {  	v52 =	vld [tilespmem:s15+$0x180];
	[tilespmem:s15+$0x100] =	vst v6;
	v4 =	vmul.f32 v4, v0  }
0x18d: {  	v53 =	vld [tilespmem:s15+$0x190];
	[tilespmem:s15+$0x110] =	vst v5;
	v3 =	vmul.f32 v3, v0  }
0x18e: {  	v54 =	vld [tilespmem:s15+$0x1A0];
	[tilespmem:s15+$0x120] =	vst v4;
	v2 =	vmul.f32 v2, v0  }
0x18f: {  	v55 =	vld [tilespmem:s15+$0x1B0];
	v9 =	vmul.f32 v9, v0;
	[tilespmem:s16+$0x130] =	vst v3  }
0x190: {  	v10 =	vld [tilespmem:s15+$0x1C0];
	v57 =	vmul.f32 v51, v0;
	[tilespmem:s16+$0x140] =	vst v2  }
0x191: {  	v56 =	vld [tilespmem:s15+$0x1D0];
	v7 =	vmul.f32 v52, v1;
	[tilespmem:s16+$0x150] =	vst v9  }
0x192: {  	v59 =	vld [tilespmem:s15+$0x1F0];
	v6 =	vmul.f32 v53, v1;
	[tilespmem:s16+$0x160] =	vst v57  }
0x193: {  	v58 =	vld [tilespmem:s15+$0x1E0];
	v60 =	vmul.f32 v54, v1;
	[tilespmem:s16+$0x180] =	vst v7  }
0x194: {  	v4 =	vmul.f32 v55, v1;
	[tilespmem:s16+$0x190] =	vst v6  }
0x195: {  	v61 =	vmul.f32 v10, v1;
	[tilespmem:s16+$0x1A0] =	vst v60  }
0x196: {  	v62 =	vmul.f32 v56, v1;
	[tilespmem:s16+$0x1B0] =	vst v4  }
0x197: {  	v63 =	vmul.f32 v59, v1;
	[tilespmem:s16+$0x1C0] =	vst v61  }
0x198: {  	v2 =	vmul.f32 v58, v1;
	[tilespmem:s16+$0x1D0] =	vst v62  }
0x199: {  	[tilespmem:s16+$0x1F0] =	vst v63  }
0x19a: {  	[tilespmem:s16+$0x1E0] =	vst v2  }
0x19b: {  	_ =	swait.ge [sflag:s22], $0x80  }
0x19c: {  	[sflag:s22] =	ssyncset.done $0x0  }
.Ltmp5:
0x19d: {  	[sflag:s22] =	ssyncadd.s32 $0xFFFFFF80;
	(pc) =	sbr.rel @p1 .LBB2_10-.Ltmp5, $4  }
0x19e: {  	[spmem:s3] =	stream.indirect.scatter.add.f32 [tilespmem:s2], [sflag:$0x7], $0x80, s25, s28, $0xb8;
	[tilespmem:$0x1E280] =	vst v63  }
0x19f: {  	_ =	swait.ge [sflag:s21], $0x4000  }
0x1a0: {  	[sflag:s21] =	ssyncset.done $0x0  }
0x1a1: {  	[sflag:s21] =	ssyncadd.s32 $0xFFFFC000  }
.Ltmp6:
0x1a2: {  	s9 =	sshll.u32 s14, $0x7;
	(pc) =	sbr.rel .LBB2_4-.Ltmp6, $4  }
0x1a3: {  	s9 =	sadd.s32 s5, s9  }
0x1a4: {  	s9 =	sshrl.u32 s9, $0x3  }
0x1a5: {  	s13 =	sadd.s32 $0x1, s13;
	s12 =	sadd.s32 $0x100, s12;
	s9 =	sadd.s32 s7, s9  }
0x1a6: {  	[tilespmem:s25], [sflag:$0x6] =	stream.linear.gather [hbm4b:s9+s4], $0x80, $0x38;
	[tilespmem:$0x1E280] =	vst v63  }
.LBB2_11:
0x1a7: {  	_ =	sfence.sel $0x180000  }
0x1a8: {  	[bflag:$0x0] =	sbarrier.arrive $0xFFFF  }
0x1a9: {  	_ =	strace $0x9000004A  }
0x1aa: {  	s0 =	stileid.u32;
	[bflag:$0x2] =	sbarrier.arrive $0xFFFF  }
0x1ab: {  	p0 =	sne.s32 s0, $0x0;
	s0 =	rddreg [dreg:$0x3]  }
0x1ac: {  	s0 =	sadd.s32 @!p0 $0x100000, s0  }
0x1ad: {  	[sflag:s0] =	ssyncadd.tile.s32 @!p0 $0x1;
	_ =	shalt  }
.Lfunc_end2:
_tile_overlayer_lowered:
.L_overlay_start_2:
0x1ae: {  	(tag) =	ssettag $0x2  }
0x1af: {  	s0 =	rddreg [dreg:$0x0];
	s2 =	stileid.u32  }
0x1b0: {  	s1 =	rddreg [dreg:$0x1];
	p0 =	sne.s32 s2, $0x0  }
0x1b1: {  	s3 =	rddreg [dreg:$0x2];
	[bflag:$0x3] =	sbarrier.arrive $0xFFFF;
	s2 =	simm.s32 @!p0 $0x1C07  }
0x1b2: {  	[timem:s3], [sflag:s2] =	dma.local @!p0 [hbm:s0], s1  }
0x1b3: {  	s0 =	simm.s32 @!p0 $0x7  }
0x1b4: {  	_ =	swait.ge @!p0 [sflag:s0], s1  }
0x1b5: {  	s1 =	ssub.s32 @!p0 $0x0, s1;
	[sflag:s0] =	ssyncset.done @!p0 $0x0  }
0x1b6: {  	[sflag:s0] =	ssyncadd.s32 @!p0 s1  }
0x1b7: {  	[bflag:$0x3] =	sbarrier.arrive $0xFFFF  }
0x1b8: {  	_ =	shalt  }

</sc_bundles>
